<compile_context>
chip_gen: v7x
topology: tpu7x:2x2x1
jax: 0.10.2.dev20260603
libtpu: 0.0.44.dev20260713+nightly
codegen_flags: <defaults>
</compile_context>

<pallas_src>
import functools

import jax
import jax.numpy as jnp
from jax import lax
from jax.experimental import pallas as pl
from jax.experimental.pallas import tpu as pltpu
from jax.experimental.pallas import tpu_sc as plsc

NC = 2
NS = 16
NW = NC * NS
CHUNK = 128
NBUF = 8


@functools.partial(jax.jit, static_argnames=("total", "embed_dim", "j_per_w", "num_fields"))
def _fused_gather(cat3, weight, *, total, embed_dim, j_per_w, num_fields):
    b_per_w = j_per_w * CHUNK
    per_table = weight.shape[0] // num_fields
    mesh = plsc.VectorSubcoreMesh(core_axis_name="c", subcore_axis_name="s")
    n_rounds = j_per_w // NBUF

    @functools.partial(
        pl.kernel,
        out_type=jax.ShapeDtypeStruct((total, embed_dim), jnp.float32),
        mesh=mesh,
        compiler_params=pltpu.CompilerParams(use_tc_tiling_on_sc=False),
        scratch_types=[
            pltpu.VMEM((j_per_w, CHUNK), jnp.int32),
            pltpu.VMEM((NBUF, CHUNK, embed_dim), jnp.float32),
            pltpu.SemaphoreType.DMA((NBUF,)),
            pltpu.SemaphoreType.DMA((NBUF,)),
        ],
    )
    def run(cat_hbm, w_hbm, out_hbm, idx_v, rows_v, gsem, wsem):
        wid = lax.axis_index("s") * NC + lax.axis_index("c")
        pltpu.sync_copy(cat_hbm.at[wid], idx_v)

        lane = lax.iota(jnp.int32, 16)
        steps_per_row = CHUNK // 16

        def add_body(t, f):
            j = t // steps_per_row
            i = (t % steps_per_row) * 16
            idx_v[j, pl.ds(i, 16)] = idx_v[j, pl.ds(i, 16)] + f * per_table
            fn = f + 16
            return jnp.where(fn >= num_fields, fn - num_fields, fn)

        lax.fori_loop(0, j_per_w * steps_per_row, add_body,
                      lane % num_fields)

        base = wid * b_per_w

        def gather_args(j, b):
            return (w_hbm.at[idx_v.at[j]], rows_v.at[b], gsem.at[b])

        def write_args(j, b):
            return (rows_v.at[b],
                    out_hbm.at[pl.ds(base + j * CHUNK, CHUNK)], wsem.at[b])

        for b in range(NBUF):
            pltpu.async_copy(*gather_args(b, b))

        def round_body(g, refill):
            j0 = g * NBUF
            for b in range(NBUF):
                pltpu.make_async_copy(*gather_args(j0 + b, b)).wait()
                pltpu.async_copy(*write_args(j0 + b, b))
            for b in range(NBUF):
                pltpu.make_async_copy(*write_args(j0 + b, b)).wait()
                if refill:
                    pltpu.async_copy(*gather_args(j0 + NBUF + b, b))

        pl.loop(0, n_rounds - 1)(lambda g: round_body(g, True))
        round_body(n_rounds - 1, False)

    return run(cat3, weight)


def kernel(categorical_inputs, weight):
    B, F = categorical_inputs.shape
    R, D = weight.shape
    total = B * F
    assert total % (NW * CHUNK) == 0
    j_per_w = total // (NW * CHUNK)
    assert j_per_w % NBUF == 0

    cat3 = categorical_inputs.reshape(NW, j_per_w, CHUNK)
    out = _fused_gather(cat3, weight, total=total, embed_dim=D,
                        j_per_w=j_per_w, num_fields=F)
    return out.reshape(B, F, D)

# --- scband reference (transcript-rebuilt; emitter-appended) ---
"""Pipeline reference for scband-fused-joint-embedding-57260503990936 (READ-ONLY COPY).

The authoritative reference and input builder live on the scoring server;
editing this copy changes nothing except your own understanding.
"""

import jax, jax.numpy as jnp
import numpy as np

SIZES = [100000] * 26
EMBED_DIM = 64
BATCH = 16384
OFFSETS = np.concatenate([[0], np.cumsum(SIZES)]).astype(np.int32)  # len 27
TOTAL_ROWS = int(OFFSETS[-1])


def setup_inputs(seed: int = 0) -> dict:
    key = jax.random.key(seed)
    k1, k2 = jax.random.split(key)
    categorical_inputs = jax.random.randint(
        k1, (BATCH, len(SIZES)), 0, SIZES[0], dtype=jnp.int32
    )
    # fused embedding table: all 26 tables concatenated row-wise
    weight = jax.random.normal(k2, (TOTAL_ROWS, EMBED_DIM), dtype=jnp.float32) * 0.01
    return {"categorical_inputs": categorical_inputs, "weight": weight}


def reference(categorical_inputs, weight):
    # BuckleEmbeddingFusedGatherFunction: add per-field offsets, then a single fused gather
    offsets = jnp.asarray(OFFSETS[:-1], dtype=categorical_inputs.dtype)  # [26]
    fused_idx = categorical_inputs + offsets[None, :]  # [B, 26]
    out = jnp.take(weight, fused_idx, axis=0)  # [B, 26, EMBED_DIM]
    return out

if __name__ == "__main__":
    import jax
    _d = setup_inputs()
    print(jax.jit(kernel)(*tuple(_d.values())))

</pallas_src>

<mosaic_0001>
#map = affine_map<(d0, d1) -> (0, 0, 0)>
#map1 = affine_map<(d0, d1) -> (0, 0)>
module attributes {stable_mosaic.version = 14 : i64} {
  func.func @run(%arg0: i32, %arg1: i32, %arg2: memref<32x104x128xi32, #tpu.memory_space<hbm>>, %arg3: memref<2600000x64xf32, #tpu.memory_space<hbm>>, %arg4: memref<425984x64xf32, #tpu.memory_space<hbm>>, %arg5: memref<104x128xi32, #tpu.memory_space<vmem>>, %arg6: memref<8x128x64xf32, #tpu.memory_space<vmem>>, %arg7: memref<8x!tpu.dma_semaphore, #tpu.memory_space<semaphore_mem>>, %arg8: memref<8x!tpu.dma_semaphore, #tpu.memory_space<semaphore_mem>>) attributes {dimension_semantics = [#tpu.dimension_semantics<core_parallel>, #tpu.dimension_semantics<subcore_parallel>], iteration_bounds = array<i64: 2, 16>, scalar_prefetch = 0 : i64, scratch_operands = 4 : i64, tpu.core_type = #tpu.core_type<sc_vector_subcore>, window_params = [{transform_indices = #map}, {transform_indices = #map1}, {transform_indices = #map1}]} {
    %mul3A = arith.constant 2 : i32
    %mul3A_0 = arith.muli %arg1, %mul3A : i32
    %add3A = arith.addi %mul3A_0, %arg0 : i32
    "tpu.region"() ({
      %run_scoped3A = tpu.sem_alloc : memref<!tpu.dma_semaphore, #tpu.memory_space<semaphore_mem>>
      %dma_start3A_554 = arith.constant 0 : i32
      %dma_start3A_555 = arith.constant 0 : i32
      %dma_start3A_556 = tpu.memref_slice %arg2[%add3A, %dma_start3A_554, %dma_start3A_555] : memref<32x104x128xi32, #tpu.memory_space<hbm>> -> memref<1x104x128xi32, #tpu.memory_space<hbm>>
      %dma_start3A_557 = tpu.memref_squeeze %dma_start3A_556 : memref<1x104x128xi32, #tpu.memory_space<hbm>> -> memref<104x128xi32, #tpu.memory_space<hbm>>
      %dma_start3A_558 = arith.constant 0 : i32
      %dma_start3A_559 = arith.constant 0 : i32
      %dma_start3A_560 = tpu.memref_slice %arg2[%add3A, %dma_start3A_558, %dma_start3A_559] : memref<32x104x128xi32, #tpu.memory_space<hbm>> -> memref<1x104x128xi32, #tpu.memory_space<hbm>>
      %dma_start3A_561 = tpu.memref_squeeze %dma_start3A_560 : memref<1x104x128xi32, #tpu.memory_space<hbm>> -> memref<104x128xi32, #tpu.memory_space<hbm>>
      tpu.enqueue_dma source(%dma_start3A_561 : memref<104x128xi32, #tpu.memory_space<hbm>>) target(%arg5 : memref<104x128xi32, #tpu.memory_space<vmem>>) target_semaphore(%run_scoped3A : memref<!tpu.dma_semaphore, #tpu.memory_space<semaphore_mem>>)
      %dma_wait3A_562 = arith.constant 0 : i32
      %dma_wait3A_563 = arith.constant 0 : i32
      %dma_wait3A_564 = tpu.memref_slice %arg2[%add3A, %dma_wait3A_562, %dma_wait3A_563] : memref<32x104x128xi32, #tpu.memory_space<hbm>> -> memref<1x104x128xi32, #tpu.memory_space<hbm>>
      %dma_wait3A_565 = tpu.memref_squeeze %dma_wait3A_564 : memref<1x104x128xi32, #tpu.memory_space<hbm>> -> memref<104x128xi32, #tpu.memory_space<hbm>>
      %dma_wait3A_566 = arith.constant 0 : i32
      %dma_wait3A_567 = arith.constant 0 : i32
      %dma_wait3A_568 = tpu.memref_slice %arg2[%add3A, %dma_wait3A_566, %dma_wait3A_567] : memref<32x104x128xi32, #tpu.memory_space<hbm>> -> memref<1x104x128xi32, #tpu.memory_space<hbm>>
      %dma_wait3A_569 = tpu.memref_squeeze %dma_wait3A_568 : memref<1x104x128xi32, #tpu.memory_space<hbm>> -> memref<104x128xi32, #tpu.memory_space<hbm>>
      tpu.wait_dma2 semaphore(%run_scoped3A : memref<!tpu.dma_semaphore, #tpu.memory_space<semaphore_mem>>) src(%dma_wait3A_569 : memref<104x128xi32, #tpu.memory_space<hbm>>) dst(%arg5 : memref<104x128xi32, #tpu.memory_space<vmem>>)
      tpu.yield
    }) : () -> ()
    %iota3A = tpu.iota {dimensions = array<i32: 0>} : vector<16xi32>
    %jit3A = arith.constant 26 : i32
    %eq3A = arith.constant 0 : i32
    %eq3A_1 = arith.cmpi eq, %jit3A, %eq3A : i32
    %jit3A_2 = arith.constant 1 : i32
    %select_n3A = arith.select %eq3A_1, %jit3A_2, %jit3A : i32
    %rem3A = vector.broadcast %select_n3A : i32 to vector<16xi32>
    %rem3A_3 = arith.remsi %iota3A, %rem3A : vector<16xi32>
    %ne3A = arith.constant 0 : i32
    %ne3A_4 = vector.broadcast %ne3A : i32 to vector<16xi32>
    %ne3A_5 = arith.cmpi ne, %rem3A_3, %ne3A_4 : vector<16xi32>
    %lt3A = arith.constant 0 : i32
    %lt3A_6 = vector.broadcast %lt3A : i32 to vector<16xi32>
    %lt3A_7 = arith.cmpi slt, %rem3A_3, %lt3A_6 : vector<16xi32>
    %lt3A_8 = arith.constant 0 : i32
    %lt3A_9 = arith.cmpi slt, %select_n3A, %lt3A_8 : i32
    %ne3A_10 = vector.broadcast %lt3A_9 : i1 to vector<16xi1>
    %ne3A_11 = vector.broadcast %ne3A_10 : vector<16xi1> to vector<16xi1>
    %ne3A_12 = arith.xori %lt3A_7, %ne3A_11 : vector<16xi1>
    %and3A = arith.andi %ne3A_12, %ne3A_5 : vector<16xi1>
    %add3A_13 = vector.broadcast %select_n3A : i32 to vector<16xi32>
    %add3A_14 = arith.addi %rem3A_3, %add3A_13 : vector<16xi32>
    %select_n3A_15 = arith.select %and3A, %add3A_14, %rem3A_3 : vector<16xi1>, vector<16xi32>
    %scan3A = arith.constant 0 : i32
    %scan3A_16 = arith.constant 832 : i32
    %scan3A_17 = arith.addi %scan3A, %scan3A_16 : i32
    %scan3A_18 = arith.constant 1 : i32
    %scan3A_19 = scf.for %scan3A_554 = %scan3A to %scan3A_17 step %scan3A_18 iter_args(%scan3A_555 = %select_n3A_15) -> (vector<16xi32>)  : i32 {
      %jit3A_556 = arith.constant 8 : i32
      %div3A = arith.divsi %scan3A_554, %jit3A_556 : i32
      %sign3A = arith.constant 0 : i32
      %sign3A_557 = arith.cmpi sgt, %scan3A_554, %sign3A : i32
      %sign3A_558 = arith.extui %sign3A_557 : i1 to i32
      %sign3A_559 = arith.constant 0 : i32
      %sign3A_560 = arith.cmpi slt, %scan3A_554, %sign3A_559 : i32
      %sign3A_561 = arith.extui %sign3A_560 : i1 to i32
      %sign3A_562 = arith.subi %sign3A_558, %sign3A_561 : i32
      %sign3A_563 = arith.constant 0 : i32
      %sign3A_564 = arith.cmpi sgt, %jit3A_556, %sign3A_563 : i32
      %sign3A_565 = arith.extui %sign3A_564 : i1 to i32
      %sign3A_566 = arith.constant 0 : i32
      %sign3A_567 = arith.cmpi slt, %jit3A_556, %sign3A_566 : i32
      %sign3A_568 = arith.extui %sign3A_567 : i1 to i32
      %sign3A_569 = arith.subi %sign3A_565, %sign3A_568 : i32
      %ne3A_570 = arith.cmpi ne, %sign3A_562, %sign3A_569 : i32
      %rem3A_571 = arith.remsi %scan3A_554, %jit3A_556 : i32
      %ne3A_572 = arith.constant 0 : i32
      %ne3A_573 = arith.cmpi ne, %rem3A_571, %ne3A_572 : i32
      %and3A_574 = arith.andi %ne3A_570, %ne3A_573 : i1
      %sub3A = arith.constant 1 : i32
      %sub3A_575 = arith.subi %div3A, %sub3A : i32
      %select_n3A_576 = arith.select %and3A_574, %sub3A_575, %div3A : i32
      %jit3A_577 = arith.constant 8 : i32
      %eq3A_578 = arith.constant 0 : i32
      %eq3A_579 = arith.cmpi eq, %jit3A_577, %eq3A_578 : i32
      %jit3A_580 = arith.constant 1 : i32
      %select_n3A_581 = arith.select %eq3A_579, %jit3A_580, %jit3A_577 : i32
      %rem3A_582 = arith.remsi %scan3A_554, %select_n3A_581 : i32
      %ne3A_583 = arith.constant 0 : i32
      %ne3A_584 = arith.cmpi ne, %rem3A_582, %ne3A_583 : i32
      %lt3A_585 = arith.constant 0 : i32
      %lt3A_586 = arith.cmpi slt, %rem3A_582, %lt3A_585 : i32
      %lt3A_587 = arith.constant 0 : i32
      %lt3A_588 = arith.cmpi slt, %select_n3A_581, %lt3A_587 : i32
      %ne3A_589 = arith.xori %lt3A_586, %lt3A_588 : i1
      %and3A_590 = arith.andi %ne3A_589, %ne3A_584 : i1
      %add3A_591 = arith.addi %rem3A_582, %select_n3A_581 : i32
      %select_n3A_592 = arith.select %and3A_590, %add3A_591, %rem3A_582 : i32
      %mul3A_593 = arith.constant 16 : i32
      %mul3A_594 = arith.muli %select_n3A_592, %mul3A_593 : i32
      %get3A = arith.index_cast %select_n3A_576 : i32 to index
      %get3A_595 = arith.index_cast %mul3A_594 : i32 to index
      %get3A_596 = tpu.vector_load %arg5[%get3A, %get3A_595] {strides = array<i32>} : memref<104x128xi32, #tpu.memory_space<vmem>>, vector<1x16xi32>,
      %get3A_597 = vector.shape_cast %get3A_596 : vector<1x16xi32> to vector<16xi32>
      %mul3A_598 = arith.constant 100000 : i32
      %mul3A_599 = vector.broadcast %mul3A_598 : i32 to vector<16xi32>
      %mul3A_600 = arith.muli %scan3A_555, %mul3A_599 : vector<16xi32>
      %add3A_601 = arith.addi %get3A_597, %mul3A_600 : vector<16xi32>
      %swap3A = arith.index_cast %select_n3A_576 : i32 to index
      %swap3A_602 = arith.index_cast %mul3A_594 : i32 to index
      %swap3A_603 = tpu.vector_load %arg5[%swap3A, %swap3A_602] {strides = array<i32>} : memref<104x128xi32, #tpu.memory_space<vmem>>, vector<1x16xi32>,
      %swap3A_604 = vector.shape_cast %swap3A_603 : vector<1x16xi32> to vector<16xi32>
      %swap3A_605 = vector.shape_cast %add3A_601 : vector<16xi32> to vector<1x16xi32>
      tpu.vector_store %arg5[%swap3A, %swap3A_602], %swap3A_605 {strides = array<i32>} : memref<104x128xi32, #tpu.memory_space<vmem>>, vector<1x16xi32>,
      %add3A_606 = arith.constant 16 : i32
      %add3A_607 = vector.broadcast %add3A_606 : i32 to vector<16xi32>
      %add3A_608 = arith.addi %scan3A_555, %add3A_607 : vector<16xi32>
      %ge3A = arith.constant 26 : i32
      %ge3A_609 = vector.broadcast %ge3A : i32 to vector<16xi32>
      %ge3A_610 = arith.cmpi sge, %add3A_608, %ge3A_609 : vector<16xi32>
      %sub3A_611 = arith.constant 26 : i32
      %sub3A_612 = vector.broadcast %sub3A_611 : i32 to vector<16xi32>
      %sub3A_613 = arith.subi %add3A_608, %sub3A_612 : vector<16xi32>
      %select_n3A_614 = arith.select %ge3A_610, %sub3A_613, %add3A_608 : vector<16xi1>, vector<16xi32>
      scf.yield %select_n3A_614 : vector<16xi32>
    }
    %scan3A_20 = arith.constant 832 : i32
    %mul3A_21 = arith.constant 13312 : i32
    %mul3A_22 = arith.muli %add3A, %mul3A_21 : i32
    %dma_start3A = arith.constant 0 : i32
    %dma_start3A_23 = arith.constant 0 : i32
    %dma_start3A_24 = arith.constant 0 : i32
    %dma_start3A_25 = arith.constant 0 : i32
    %dma_start3A_26 = arith.constant 0 : i32
    %dma_start3A_27 = tpu.memref_slice %arg6[%dma_start3A_23, %dma_start3A_25, %dma_start3A_26] : memref<8x128x64xf32, #tpu.memory_space<vmem>> -> memref<1x128x64xf32, #tpu.memory_space<vmem>>
    %dma_start3A_28 = tpu.memref_squeeze %dma_start3A_27 : memref<1x128x64xf32, #tpu.memory_space<vmem>> -> memref<128x64xf32, #tpu.memory_space<vmem>>
    %dma_start3A_29 = arith.constant 0 : i32
    %dma_start3A_30 = tpu.memref_slice %arg5[%dma_start3A, %dma_start3A_29] : memref<104x128xi32, #tpu.memory_space<vmem>> -> memref<1x128xi32, #tpu.memory_space<vmem>>
    %dma_start3A_31 = tpu.memref_squeeze %dma_start3A_30 : memref<1x128xi32, #tpu.memory_space<vmem>> -> memref<128xi32, #tpu.memory_space<vmem>>
    %dma_start3A_32 = arith.constant 0 : i32
    %dma_start3A_33 = arith.constant 0 : i32
    %dma_start3A_34 = tpu.memref_slice %arg3[%dma_start3A_32, %dma_start3A_33] : memref<2600000x64xf32, #tpu.memory_space<hbm>> -> memref<2600000x64xf32, #tpu.memory_space<hbm>>
    %dma_start3A_35 = tpu.memref_slice %arg7[%dma_start3A_24] : memref<8x!tpu.dma_semaphore, #tpu.memory_space<semaphore_mem>> -> memref<1x!tpu.dma_semaphore, #tpu.memory_space<semaphore_mem>>
    %dma_start3A_36 = tpu.memref_squeeze %dma_start3A_35 : memref<1x!tpu.dma_semaphore, #tpu.memory_space<semaphore_mem>> -> memref<!tpu.dma_semaphore, #tpu.memory_space<semaphore_mem>>
    tpu.enqueue_indirect_dma source(%dma_start3A_34 : memref<2600000x64xf32, #tpu.memory_space<hbm>>) target(%dma_start3A_28 : memref<128x64xf32, #tpu.memory_space<vmem>>) offsets(%dma_start3A_31 : memref<128xi32, #tpu.memory_space<vmem>>) semaphore(%dma_start3A_36 : memref<!tpu.dma_semaphore, #tpu.memory_space<semaphore_mem>>)
    %dma_start3A_37 = arith.constant 1 : i32
    %dma_start3A_38 = arith.constant 1 : i32
    %dma_start3A_39 = arith.constant 1 : i32
    %dma_start3A_40 = arith.constant 0 : i32
    %dma_start3A_41 = arith.constant 0 : i32
    %dma_start3A_42 = tpu.memref_slice %arg6[%dma_start3A_38, %dma_start3A_40, %dma_start3A_41] : memref<8x128x64xf32, #tpu.memory_space<vmem>> -> memref<1x128x64xf32, #tpu.memory_space<vmem>>
    %dma_start3A_43 = tpu.memref_squeeze %dma_start3A_42 : memref<1x128x64xf32, #tpu.memory_space<vmem>> -> memref<128x64xf32, #tpu.memory_space<vmem>>
    %dma_start3A_44 = arith.constant 0 : i32
    %dma_start3A_45 = tpu.memref_slice %arg5[%dma_start3A_37, %dma_start3A_44] : memref<104x128xi32, #tpu.memory_space<vmem>> -> memref<1x128xi32, #tpu.memory_space<vmem>>
    %dma_start3A_46 = tpu.memref_squeeze %dma_start3A_45 : memref<1x128xi32, #tpu.memory_space<vmem>> -> memref<128xi32, #tpu.memory_space<vmem>>
    %dma_start3A_47 = arith.constant 0 : i32
    %dma_start3A_48 = arith.constant 0 : i32
    %dma_start3A_49 = tpu.memref_slice %arg3[%dma_start3A_47, %dma_start3A_48] : memref<2600000x64xf32, #tpu.memory_space<hbm>> -> memref<2600000x64xf32, #tpu.memory_space<hbm>>
    %dma_start3A_50 = tpu.memref_slice %arg7[%dma_start3A_39] : memref<8x!tpu.dma_semaphore, #tpu.memory_space<semaphore_mem>> -> memref<1x!tpu.dma_semaphore, #tpu.memory_space<semaphore_mem>>
    %dma_start3A_51 = tpu.memref_squeeze %dma_start3A_50 : memref<1x!tpu.dma_semaphore, #tpu.memory_space<semaphore_mem>> -> memref<!tpu.dma_semaphore, #tpu.memory_space<semaphore_mem>>
    tpu.enqueue_indirect_dma source(%dma_start3A_49 : memref<2600000x64xf32, #tpu.memory_space<hbm>>) target(%dma_start3A_43 : memref<128x64xf32, #tpu.memory_space<vmem>>) offsets(%dma_start3A_46 : memref<128xi32, #tpu.memory_space<vmem>>) semaphore(%dma_start3A_51 : memref<!tpu.dma_semaphore, #tpu.memory_space<semaphore_mem>>)
    %dma_start3A_52 = arith.constant 2 : i32
    %dma_start3A_53 = arith.constant 2 : i32
    %dma_start3A_54 = arith.constant 2 : i32
    %dma_start3A_55 = arith.constant 0 : i32
    %dma_start3A_56 = arith.constant 0 : i32
    %dma_start3A_57 = tpu.memref_slice %arg6[%dma_start3A_53, %dma_start3A_55, %dma_start3A_56] : memref<8x128x64xf32, #tpu.memory_space<vmem>> -> memref<1x128x64xf32, #tpu.memory_space<vmem>>
    %dma_start3A_58 = tpu.memref_squeeze %dma_start3A_57 : memref<1x128x64xf32, #tpu.memory_space<vmem>> -> memref<128x64xf32, #tpu.memory_space<vmem>>
    %dma_start3A_59 = arith.constant 0 : i32
    %dma_start3A_60 = tpu.memref_slice %arg5[%dma_start3A_52, %dma_start3A_59] : memref<104x128xi32, #tpu.memory_space<vmem>> -> memref<1x128xi32, #tpu.memory_space<vmem>>
    %dma_start3A_61 = tpu.memref_squeeze %dma_start3A_60 : memref<1x128xi32, #tpu.memory_space<vmem>> -> memref<128xi32, #tpu.memory_space<vmem>>
    %dma_start3A_62 = arith.constant 0 : i32
    %dma_start3A_63 = arith.constant 0 : i32
    %dma_start3A_64 = tpu.memref_slice %arg3[%dma_start3A_62, %dma_start3A_63] : memref<2600000x64xf32, #tpu.memory_space<hbm>> -> memref<2600000x64xf32, #tpu.memory_space<hbm>>
    %dma_start3A_65 = tpu.memref_slice %arg7[%dma_start3A_54] : memref<8x!tpu.dma_semaphore, #tpu.memory_space<semaphore_mem>> -> memref<1x!tpu.dma_semaphore, #tpu.memory_space<semaphore_mem>>
    %dma_start3A_66 = tpu.memref_squeeze %dma_start3A_65 : memref<1x!tpu.dma_semaphore, #tpu.memory_space<semaphore_mem>> -> memref<!tpu.dma_semaphore, #tpu.memory_space<semaphore_mem>>
    tpu.enqueue_indirect_dma source(%dma_start3A_64 : memref<2600000x64xf32, #tpu.memory_space<hbm>>) target(%dma_start3A_58 : memref<128x64xf32, #tpu.memory_space<vmem>>) offsets(%dma_start3A_61 : memref<128xi32, #tpu.memory_space<vmem>>) semaphore(%dma_start3A_66 : memref<!tpu.dma_semaphore, #tpu.memory_space<semaphore_mem>>)
    %dma_start3A_67 = arith.constant 3 : i32
    %dma_start3A_68 = arith.constant 3 : i32
    %dma_start3A_69 = arith.constant 3 : i32
    %dma_start3A_70 = arith.constant 0 : i32
    %dma_start3A_71 = arith.constant 0 : i32
    %dma_start3A_72 = tpu.memref_slice %arg6[%dma_start3A_68, %dma_start3A_70, %dma_start3A_71] : memref<8x128x64xf32, #tpu.memory_space<vmem>> -> memref<1x128x64xf32, #tpu.memory_space<vmem>>
    %dma_start3A_73 = tpu.memref_squeeze %dma_start3A_72 : memref<1x128x64xf32, #tpu.memory_space<vmem>> -> memref<128x64xf32, #tpu.memory_space<vmem>>
    %dma_start3A_74 = arith.constant 0 : i32
    %dma_start3A_75 = tpu.memref_slice %arg5[%dma_start3A_67, %dma_start3A_74] : memref<104x128xi32, #tpu.memory_space<vmem>> -> memref<1x128xi32, #tpu.memory_space<vmem>>
    %dma_start3A_76 = tpu.memref_squeeze %dma_start3A_75 : memref<1x128xi32, #tpu.memory_space<vmem>> -> memref<128xi32, #tpu.memory_space<vmem>>
    %dma_start3A_77 = arith.constant 0 : i32
    %dma_start3A_78 = arith.constant 0 : i32
    %dma_start3A_79 = tpu.memref_slice %arg3[%dma_start3A_77, %dma_start3A_78] : memref<2600000x64xf32, #tpu.memory_space<hbm>> -> memref<2600000x64xf32, #tpu.memory_space<hbm>>
    %dma_start3A_80 = tpu.memref_slice %arg7[%dma_start3A_69] : memref<8x!tpu.dma_semaphore, #tpu.memory_space<semaphore_mem>> -> memref<1x!tpu.dma_semaphore, #tpu.memory_space<semaphore_mem>>
    %dma_start3A_81 = tpu.memref_squeeze %dma_start3A_80 : memref<1x!tpu.dma_semaphore, #tpu.memory_space<semaphore_mem>> -> memref<!tpu.dma_semaphore, #tpu.memory_space<semaphore_mem>>
    tpu.enqueue_indirect_dma source(%dma_start3A_79 : memref<2600000x64xf32, #tpu.memory_space<hbm>>) target(%dma_start3A_73 : memref<128x64xf32, #tpu.memory_space<vmem>>) offsets(%dma_start3A_76 : memref<128xi32, #tpu.memory_space<vmem>>) semaphore(%dma_start3A_81 : memref<!tpu.dma_semaphore, #tpu.memory_space<semaphore_mem>>)
    %dma_start3A_82 = arith.constant 4 : i32
    %dma_start3A_83 = arith.constant 4 : i32
    %dma_start3A_84 = arith.constant 4 : i32
    %dma_start3A_85 = arith.constant 0 : i32
    %dma_start3A_86 = arith.constant 0 : i32
    %dma_start3A_87 = tpu.memref_slice %arg6[%dma_start3A_83, %dma_start3A_85, %dma_start3A_86] : memref<8x128x64xf32, #tpu.memory_space<vmem>> -> memref<1x128x64xf32, #tpu.memory_space<vmem>>
    %dma_start3A_88 = tpu.memref_squeeze %dma_start3A_87 : memref<1x128x64xf32, #tpu.memory_space<vmem>> -> memref<128x64xf32, #tpu.memory_space<vmem>>
    %dma_start3A_89 = arith.constant 0 : i32
    %dma_start3A_90 = tpu.memref_slice %arg5[%dma_start3A_82, %dma_start3A_89] : memref<104x128xi32, #tpu.memory_space<vmem>> -> memref<1x128xi32, #tpu.memory_space<vmem>>
    %dma_start3A_91 = tpu.memref_squeeze %dma_start3A_90 : memref<1x128xi32, #tpu.memory_space<vmem>> -> memref<128xi32, #tpu.memory_space<vmem>>
    %dma_start3A_92 = arith.constant 0 : i32
    %dma_start3A_93 = arith.constant 0 : i32
    %dma_start3A_94 = tpu.memref_slice %arg3[%dma_start3A_92, %dma_start3A_93] : memref<2600000x64xf32, #tpu.memory_space<hbm>> -> memref<2600000x64xf32, #tpu.memory_space<hbm>>
    %dma_start3A_95 = tpu.memref_slice %arg7[%dma_start3A_84] : memref<8x!tpu.dma_semaphore, #tpu.memory_space<semaphore_mem>> -> memref<1x!tpu.dma_semaphore, #tpu.memory_space<semaphore_mem>>
    %dma_start3A_96 = tpu.memref_squeeze %dma_start3A_95 : memref<1x!tpu.dma_semaphore, #tpu.memory_space<semaphore_mem>> -> memref<!tpu.dma_semaphore, #tpu.memory_space<semaphore_mem>>
    tpu.enqueue_indirect_dma source(%dma_start3A_94 : memref<2600000x64xf32, #tpu.memory_space<hbm>>) target(%dma_start3A_88 : memref<128x64xf32, #tpu.memory_space<vmem>>) offsets(%dma_start3A_91 : memref<128xi32, #tpu.memory_space<vmem>>) semaphore(%dma_start3A_96 : memref<!tpu.dma_semaphore, #tpu.memory_space<semaphore_mem>>)
    %dma_start3A_97 = arith.constant 5 : i32
    %dma_start3A_98 = arith.constant 5 : i32
    %dma_start3A_99 = arith.constant 5 : i32
    %dma_start3A_100 = arith.constant 0 : i32
    %dma_start3A_101 = arith.constant 0 : i32
    %dma_start3A_102 = tpu.memref_slice %arg6[%dma_start3A_98, %dma_start3A_100, %dma_start3A_101] : memref<8x128x64xf32, #tpu.memory_space<vmem>> -> memref<1x128x64xf32, #tpu.memory_space<vmem>>
    %dma_start3A_103 = tpu.memref_squeeze %dma_start3A_102 : memref<1x128x64xf32, #tpu.memory_space<vmem>> -> memref<128x64xf32, #tpu.memory_space<vmem>>
    %dma_start3A_104 = arith.constant 0 : i32
    %dma_start3A_105 = tpu.memref_slice %arg5[%dma_start3A_97, %dma_start3A_104] : memref<104x128xi32, #tpu.memory_space<vmem>> -> memref<1x128xi32, #tpu.memory_space<vmem>>
    %dma_start3A_106 = tpu.memref_squeeze %dma_start3A_105 : memref<1x128xi32, #tpu.memory_space<vmem>> -> memref<128xi32, #tpu.memory_space<vmem>>
    %dma_start3A_107 = arith.constant 0 : i32
    %dma_start3A_108 = arith.constant 0 : i32
    %dma_start3A_109 = tpu.memref_slice %arg3[%dma_start3A_107, %dma_start3A_108] : memref<2600000x64xf32, #tpu.memory_space<hbm>> -> memref<2600000x64xf32, #tpu.memory_space<hbm>>
    %dma_start3A_110 = tpu.memref_slice %arg7[%dma_start3A_99] : memref<8x!tpu.dma_semaphore, #tpu.memory_space<semaphore_mem>> -> memref<1x!tpu.dma_semaphore, #tpu.memory_space<semaphore_mem>>
    %dma_start3A_111 = tpu.memref_squeeze %dma_start3A_110 : memref<1x!tpu.dma_semaphore, #tpu.memory_space<semaphore_mem>> -> memref<!tpu.dma_semaphore, #tpu.memory_space<semaphore_mem>>
    tpu.enqueue_indirect_dma source(%dma_start3A_109 : memref<2600000x64xf32, #tpu.memory_space<hbm>>) target(%dma_start3A_103 : memref<128x64xf32, #tpu.memory_space<vmem>>) offsets(%dma_start3A_106 : memref<128xi32, #tpu.memory_space<vmem>>) semaphore(%dma_start3A_111 : memref<!tpu.dma_semaphore, #tpu.memory_space<semaphore_mem>>)
    %dma_start3A_112 = arith.constant 6 : i32
    %dma_start3A_113 = arith.constant 6 : i32
    %dma_start3A_114 = arith.constant 6 : i32
    %dma_start3A_115 = arith.constant 0 : i32
    %dma_start3A_116 = arith.constant 0 : i32
    %dma_start3A_117 = tpu.memref_slice %arg6[%dma_start3A_113, %dma_start3A_115, %dma_start3A_116] : memref<8x128x64xf32, #tpu.memory_space<vmem>> -> memref<1x128x64xf32, #tpu.memory_space<vmem>>
    %dma_start3A_118 = tpu.memref_squeeze %dma_start3A_117 : memref<1x128x64xf32, #tpu.memory_space<vmem>> -> memref<128x64xf32, #tpu.memory_space<vmem>>
    %dma_start3A_119 = arith.constant 0 : i32
    %dma_start3A_120 = tpu.memref_slice %arg5[%dma_start3A_112, %dma_start3A_119] : memref<104x128xi32, #tpu.memory_space<vmem>> -> memref<1x128xi32, #tpu.memory_space<vmem>>
    %dma_start3A_121 = tpu.memref_squeeze %dma_start3A_120 : memref<1x128xi32, #tpu.memory_space<vmem>> -> memref<128xi32, #tpu.memory_space<vmem>>
    %dma_start3A_122 = arith.constant 0 : i32
    %dma_start3A_123 = arith.constant 0 : i32
    %dma_start3A_124 = tpu.memref_slice %arg3[%dma_start3A_122, %dma_start3A_123] : memref<2600000x64xf32, #tpu.memory_space<hbm>> -> memref<2600000x64xf32, #tpu.memory_space<hbm>>
    %dma_start3A_125 = tpu.memref_slice %arg7[%dma_start3A_114] : memref<8x!tpu.dma_semaphore, #tpu.memory_space<semaphore_mem>> -> memref<1x!tpu.dma_semaphore, #tpu.memory_space<semaphore_mem>>
    %dma_start3A_126 = tpu.memref_squeeze %dma_start3A_125 : memref<1x!tpu.dma_semaphore, #tpu.memory_space<semaphore_mem>> -> memref<!tpu.dma_semaphore, #tpu.memory_space<semaphore_mem>>
    tpu.enqueue_indirect_dma source(%dma_start3A_124 : memref<2600000x64xf32, #tpu.memory_space<hbm>>) target(%dma_start3A_118 : memref<128x64xf32, #tpu.memory_space<vmem>>) offsets(%dma_start3A_121 : memref<128xi32, #tpu.memory_space<vmem>>) semaphore(%dma_start3A_126 : memref<!tpu.dma_semaphore, #tpu.memory_space<semaphore_mem>>)
    %dma_start3A_127 = arith.constant 7 : i32
    %dma_start3A_128 = arith.constant 7 : i32
    %dma_start3A_129 = arith.constant 7 : i32
    %dma_start3A_130 = arith.constant 0 : i32
    %dma_start3A_131 = arith.constant 0 : i32
    %dma_start3A_132 = tpu.memref_slice %arg6[%dma_start3A_128, %dma_start3A_130, %dma_start3A_131] : memref<8x128x64xf32, #tpu.memory_space<vmem>> -> memref<1x128x64xf32, #tpu.memory_space<vmem>>
    %dma_start3A_133 = tpu.memref_squeeze %dma_start3A_132 : memref<1x128x64xf32, #tpu.memory_space<vmem>> -> memref<128x64xf32, #tpu.memory_space<vmem>>
    %dma_start3A_134 = arith.constant 0 : i32
    %dma_start3A_135 = tpu.memref_slice %arg5[%dma_start3A_127, %dma_start3A_134] : memref<104x128xi32, #tpu.memory_space<vmem>> -> memref<1x128xi32, #tpu.memory_space<vmem>>
    %dma_start3A_136 = tpu.memref_squeeze %dma_start3A_135 : memref<1x128xi32, #tpu.memory_space<vmem>> -> memref<128xi32, #tpu.memory_space<vmem>>
    %dma_start3A_137 = arith.constant 0 : i32
    %dma_start3A_138 = arith.constant 0 : i32
    %dma_start3A_139 = tpu.memref_slice %arg3[%dma_start3A_137, %dma_start3A_138] : memref<2600000x64xf32, #tpu.memory_space<hbm>> -> memref<2600000x64xf32, #tpu.memory_space<hbm>>
    %dma_start3A_140 = tpu.memref_slice %arg7[%dma_start3A_129] : memref<8x!tpu.dma_semaphore, #tpu.memory_space<semaphore_mem>> -> memref<1x!tpu.dma_semaphore, #tpu.memory_space<semaphore_mem>>
    %dma_start3A_141 = tpu.memref_squeeze %dma_start3A_140 : memref<1x!tpu.dma_semaphore, #tpu.memory_space<semaphore_mem>> -> memref<!tpu.dma_semaphore, #tpu.memory_space<semaphore_mem>>
    tpu.enqueue_indirect_dma source(%dma_start3A_139 : memref<2600000x64xf32, #tpu.memory_space<hbm>>) target(%dma_start3A_133 : memref<128x64xf32, #tpu.memory_space<vmem>>) offsets(%dma_start3A_136 : memref<128xi32, #tpu.memory_space<vmem>>) semaphore(%dma_start3A_141 : memref<!tpu.dma_semaphore, #tpu.memory_space<semaphore_mem>>)
    %scan3A_142 = arith.constant 0 : i32
    %scan3A_143 = arith.constant 12 : i32
    %scan3A_144 = arith.addi %scan3A_142, %scan3A_143 : i32
    %scan3A_145 = arith.constant 1 : i32
    scf.for %scan3A_554 = %scan3A_142 to %scan3A_144 step %scan3A_145  : i32 {
      %mul3A_555 = arith.constant 1 : i32
      %mul3A_556 = arith.muli %scan3A_554, %mul3A_555 : i32
      %add3A_557 = arith.constant 0 : i32
      %add3A_558 = arith.addi %add3A_557, %mul3A_556 : i32
      %mul3A_559 = arith.constant 8 : i32
      %mul3A_560 = arith.muli %add3A_558, %mul3A_559 : i32
      %add3A_561 = arith.constant 0 : i32
      %add3A_562 = arith.addi %mul3A_560, %add3A_561 : i32
      %dma_wait3A_563 = arith.constant 0 : i32
      %dma_wait3A_564 = arith.constant 0 : i32
      %dma_wait3A_565 = arith.constant 0 : i32
      %dma_wait3A_566 = arith.constant 0 : i32
      %dma_wait3A_567 = tpu.memref_slice %arg6[%dma_wait3A_563, %dma_wait3A_565, %dma_wait3A_566] : memref<8x128x64xf32, #tpu.memory_space<vmem>> -> memref<1x128x64xf32, #tpu.memory_space<vmem>>
      %dma_wait3A_568 = tpu.memref_squeeze %dma_wait3A_567 : memref<1x128x64xf32, #tpu.memory_space<vmem>> -> memref<128x64xf32, #tpu.memory_space<vmem>>
      %dma_wait3A_569 = arith.constant 0 : i32
      %dma_wait3A_570 = tpu.memref_slice %arg5[%add3A_562, %dma_wait3A_569] : memref<104x128xi32, #tpu.memory_space<vmem>> -> memref<1x128xi32, #tpu.memory_space<vmem>>
      %dma_wait3A_571 = tpu.memref_squeeze %dma_wait3A_570 : memref<1x128xi32, #tpu.memory_space<vmem>> -> memref<128xi32, #tpu.memory_space<vmem>>
      %dma_wait3A_572 = arith.constant 0 : i32
      %dma_wait3A_573 = arith.constant 0 : i32
      %dma_wait3A_574 = tpu.memref_slice %arg3[%dma_wait3A_572, %dma_wait3A_573] : memref<2600000x64xf32, #tpu.memory_space<hbm>> -> memref<2600000x64xf32, #tpu.memory_space<hbm>>
      %dma_wait3A_575 = tpu.memref_slice %arg7[%dma_wait3A_564] : memref<8x!tpu.dma_semaphore, #tpu.memory_space<semaphore_mem>> -> memref<1x!tpu.dma_semaphore, #tpu.memory_space<semaphore_mem>>
      %dma_wait3A_576 = tpu.memref_squeeze %dma_wait3A_575 : memref<1x!tpu.dma_semaphore, #tpu.memory_space<semaphore_mem>> -> memref<!tpu.dma_semaphore, #tpu.memory_space<semaphore_mem>>
      tpu.wait_indirect_dma semaphore(%dma_wait3A_576 : memref<!tpu.dma_semaphore, #tpu.memory_space<semaphore_mem>>) src(%dma_wait3A_574 : memref<2600000x64xf32, #tpu.memory_space<hbm>>) dst(%dma_wait3A_568 : memref<128x64xf32, #tpu.memory_space<vmem>>)
      %add3A_577 = arith.constant 0 : i32
      %add3A_578 = arith.addi %mul3A_560, %add3A_577 : i32
      %mul3A_579 = arith.constant 128 : i32
      %mul3A_580 = arith.muli %add3A_578, %mul3A_579 : i32
      %add3A_581 = arith.addi %mul3A_22, %mul3A_580 : i32
      %dma_start3A_582 = arith.constant 0 : i32
      %dma_start3A_583 = arith.constant 0 : i32
      %dma_start3A_584 = arith.constant 0 : i32
      %dma_start3A_585 = arith.constant 0 : i32
      %dma_start3A_586 = tpu.memref_slice %arg6[%dma_start3A_582, %dma_start3A_584, %dma_start3A_585] : memref<8x128x64xf32, #tpu.memory_space<vmem>> -> memref<1x128x64xf32, #tpu.memory_space<vmem>>
      %dma_start3A_587 = tpu.memref_squeeze %dma_start3A_586 : memref<1x128x64xf32, #tpu.memory_space<vmem>> -> memref<128x64xf32, #tpu.memory_space<vmem>>
      %dma_start3A_588 = arith.constant 0 : i32
      %dma_start3A_589 = tpu.memref_slice %arg4[%add3A_581, %dma_start3A_588] : memref<425984x64xf32, #tpu.memory_space<hbm>> -> memref<128x64xf32, #tpu.memory_space<hbm>>
      %dma_start3A_590 = tpu.memref_slice %arg8[%dma_start3A_583] : memref<8x!tpu.dma_semaphore, #tpu.memory_space<semaphore_mem>> -> memref<1x!tpu.dma_semaphore, #tpu.memory_space<semaphore_mem>>
      %dma_start3A_591 = tpu.memref_squeeze %dma_start3A_590 : memref<1x!tpu.dma_semaphore, #tpu.memory_space<semaphore_mem>> -> memref<!tpu.dma_semaphore, #tpu.memory_space<semaphore_mem>>
      %dma_start3A_592 = arith.constant 0 : i32
      %dma_start3A_593 = tpu.memref_slice %arg4[%add3A_581, %dma_start3A_592] : memref<425984x64xf32, #tpu.memory_space<hbm>> -> memref<128x64xf32, #tpu.memory_space<hbm>>
      %dma_start3A_594 = arith.constant 0 : i32
      %dma_start3A_595 = arith.constant 0 : i32
      %dma_start3A_596 = tpu.memref_slice %arg6[%dma_start3A_582, %dma_start3A_594, %dma_start3A_595] : memref<8x128x64xf32, #tpu.memory_space<vmem>> -> memref<1x128x64xf32, #tpu.memory_space<vmem>>
      %dma_start3A_597 = tpu.memref_squeeze %dma_start3A_596 : memref<1x128x64xf32, #tpu.memory_space<vmem>> -> memref<128x64xf32, #tpu.memory_space<vmem>>
      tpu.enqueue_dma source(%dma_start3A_597 : memref<128x64xf32, #tpu.memory_space<vmem>>) target(%dma_start3A_593 : memref<128x64xf32, #tpu.memory_space<hbm>>) target_semaphore(%dma_start3A_591 : memref<!tpu.dma_semaphore, #tpu.memory_space<semaphore_mem>>)
      %add3A_598 = arith.constant 1 : i32
      %add3A_599 = arith.addi %mul3A_560, %add3A_598 : i32
      %dma_wait3A_600 = arith.constant 1 : i32
      %dma_wait3A_601 = arith.constant 1 : i32
      %dma_wait3A_602 = arith.constant 0 : i32
      %dma_wait3A_603 = arith.constant 0 : i32
      %dma_wait3A_604 = tpu.memref_slice %arg6[%dma_wait3A_600, %dma_wait3A_602, %dma_wait3A_603] : memref<8x128x64xf32, #tpu.memory_space<vmem>> -> memref<1x128x64xf32, #tpu.memory_space<vmem>>
      %dma_wait3A_605 = tpu.memref_squeeze %dma_wait3A_604 : memref<1x128x64xf32, #tpu.memory_space<vmem>> -> memref<128x64xf32, #tpu.memory_space<vmem>>
      %dma_wait3A_606 = arith.constant 0 : i32
      %dma_wait3A_607 = tpu.memref_slice %arg5[%add3A_599, %dma_wait3A_606] : memref<104x128xi32, #tpu.memory_space<vmem>> -> memref<1x128xi32, #tpu.memory_space<vmem>>
      %dma_wait3A_608 = tpu.memref_squeeze %dma_wait3A_607 : memref<1x128xi32, #tpu.memory_space<vmem>> -> memref<128xi32, #tpu.memory_space<vmem>>
      %dma_wait3A_609 = arith.constant 0 : i32
      %dma_wait3A_610 = arith.constant 0 : i32
      %dma_wait3A_611 = tpu.memref_slice %arg3[%dma_wait3A_609, %dma_wait3A_610] : memref<2600000x64xf32, #tpu.memory_space<hbm>> -> memref<2600000x64xf32, #tpu.memory_space<hbm>>
      %dma_wait3A_612 = tpu.memref_slice %arg7[%dma_wait3A_601] : memref<8x!tpu.dma_semaphore, #tpu.memory_space<semaphore_mem>> -> memref<1x!tpu.dma_semaphore, #tpu.memory_space<semaphore_mem>>
      %dma_wait3A_613 = tpu.memref_squeeze %dma_wait3A_612 : memref<1x!tpu.dma_semaphore, #tpu.memory_space<semaphore_mem>> -> memref<!tpu.dma_semaphore, #tpu.memory_space<semaphore_mem>>
      tpu.wait_indirect_dma semaphore(%dma_wait3A_613 : memref<!tpu.dma_semaphore, #tpu.memory_space<semaphore_mem>>) src(%dma_wait3A_611 : memref<2600000x64xf32, #tpu.memory_space<hbm>>) dst(%dma_wait3A_605 : memref<128x64xf32, #tpu.memory_space<vmem>>)
      %add3A_614 = arith.constant 1 : i32
      %add3A_615 = arith.addi %mul3A_560, %add3A_614 : i32
      %mul3A_616 = arith.constant 128 : i32
      %mul3A_617 = arith.muli %add3A_615, %mul3A_616 : i32
      %add3A_618 = arith.addi %mul3A_22, %mul3A_617 : i32
      %dma_start3A_619 = arith.constant 1 : i32
      %dma_start3A_620 = arith.constant 1 : i32
      %dma_start3A_621 = arith.constant 0 : i32
      %dma_start3A_622 = arith.constant 0 : i32
      %dma_start3A_623 = tpu.memref_slice %arg6[%dma_start3A_619, %dma_start3A_621, %dma_start3A_622] : memref<8x128x64xf32, #tpu.memory_space<vmem>> -> memref<1x128x64xf32, #tpu.memory_space<vmem>>
      %dma_start3A_624 = tpu.memref_squeeze %dma_start3A_623 : memref<1x128x64xf32, #tpu.memory_space<vmem>> -> memref<128x64xf32, #tpu.memory_space<vmem>>
      %dma_start3A_625 = arith.constant 0 : i32
      %dma_start3A_626 = tpu.memref_slice %arg4[%add3A_618, %dma_start3A_625] : memref<425984x64xf32, #tpu.memory_space<hbm>> -> memref<128x64xf32, #tpu.memory_space<hbm>>
      %dma_start3A_627 = tpu.memref_slice %arg8[%dma_start3A_620] : memref<8x!tpu.dma_semaphore, #tpu.memory_space<semaphore_mem>> -> memref<1x!tpu.dma_semaphore, #tpu.memory_space<semaphore_mem>>
      %dma_start3A_628 = tpu.memref_squeeze %dma_start3A_627 : memref<1x!tpu.dma_semaphore, #tpu.memory_space<semaphore_mem>> -> memref<!tpu.dma_semaphore, #tpu.memory_space<semaphore_mem>>
      %dma_start3A_629 = arith.constant 0 : i32
      %dma_start3A_630 = tpu.memref_slice %arg4[%add3A_618, %dma_start3A_629] : memref<425984x64xf32, #tpu.memory_space<hbm>> -> memref<128x64xf32, #tpu.memory_space<hbm>>
      %dma_start3A_631 = arith.constant 0 : i32
      %dma_start3A_632 = arith.constant 0 : i32
      %dma_start3A_633 = tpu.memref_slice %arg6[%dma_start3A_619, %dma_start3A_631, %dma_start3A_632] : memref<8x128x64xf32, #tpu.memory_space<vmem>> -> memref<1x128x64xf32, #tpu.memory_space<vmem>>
      %dma_start3A_634 = tpu.memref_squeeze %dma_start3A_633 : memref<1x128x64xf32, #tpu.memory_space<vmem>> -> memref<128x64xf32, #tpu.memory_space<vmem>>
      tpu.enqueue_dma source(%dma_start3A_634 : memref<128x64xf32, #tpu.memory_space<vmem>>) target(%dma_start3A_630 : memref<128x64xf32, #tpu.memory_space<hbm>>) target_semaphore(%dma_start3A_628 : memref<!tpu.dma_semaphore, #tpu.memory_space<semaphore_mem>>)
      %add3A_635 = arith.constant 2 : i32
      %add3A_636 = arith.addi %mul3A_560, %add3A_635 : i32
      %dma_wait3A_637 = arith.constant 2 : i32
      %dma_wait3A_638 = arith.constant 2 : i32
      %dma_wait3A_639 = arith.constant 0 : i32
      %dma_wait3A_640 = arith.constant 0 : i32
      %dma_wait3A_641 = tpu.memref_slice %arg6[%dma_wait3A_637, %dma_wait3A_639, %dma_wait3A_640] : memref<8x128x64xf32, #tpu.memory_space<vmem>> -> memref<1x128x64xf32, #tpu.memory_space<vmem>>
      %dma_wait3A_642 = tpu.memref_squeeze %dma_wait3A_641 : memref<1x128x64xf32, #tpu.memory_space<vmem>> -> memref<128x64xf32, #tpu.memory_space<vmem>>
      %dma_wait3A_643 = arith.constant 0 : i32
      %dma_wait3A_644 = tpu.memref_slice %arg5[%add3A_636, %dma_wait3A_643] : memref<104x128xi32, #tpu.memory_space<vmem>> -> memref<1x128xi32, #tpu.memory_space<vmem>>
      %dma_wait3A_645 = tpu.memref_squeeze %dma_wait3A_644 : memref<1x128xi32, #tpu.memory_space<vmem>> -> memref<128xi32, #tpu.memory_space<vmem>>
      %dma_wait3A_646 = arith.constant 0 : i32
      %dma_wait3A_647 = arith.constant 0 : i32
      %dma_wait3A_648 = tpu.memref_slice %arg3[%dma_wait3A_646, %dma_wait3A_647] : memref<2600000x64xf32, #tpu.memory_space<hbm>> -> memref<2600000x64xf32, #tpu.memory_space<hbm>>
      %dma_wait3A_649 = tpu.memref_slice %arg7[%dma_wait3A_638] : memref<8x!tpu.dma_semaphore, #tpu.memory_space<semaphore_mem>> -> memref<1x!tpu.dma_semaphore, #tpu.memory_space<semaphore_mem>>
      %dma_wait3A_650 = tpu.memref_squeeze %dma_wait3A_649 : memref<1x!tpu.dma_semaphore, #tpu.memory_space<semaphore_mem>> -> memref<!tpu.dma_semaphore, #tpu.memory_space<semaphore_mem>>
      tpu.wait_indirect_dma semaphore(%dma_wait3A_650 : memref<!tpu.dma_semaphore, #tpu.memory_space<semaphore_mem>>) src(%dma_wait3A_648 : memref<2600000x64xf32, #tpu.memory_space<hbm>>) dst(%dma_wait3A_642 : memref<128x64xf32, #tpu.memory_space<vmem>>)
      %add3A_651 = arith.constant 2 : i32
      %add3A_652 = arith.addi %mul3A_560, %add3A_651 : i32
      %mul3A_653 = arith.constant 128 : i32
      %mul3A_654 = arith.muli %add3A_652, %mul3A_653 : i32
      %add3A_655 = arith.addi %mul3A_22, %mul3A_654 : i32
      %dma_start3A_656 = arith.constant 2 : i32
      %dma_start3A_657 = arith.constant 2 : i32
      %dma_start3A_658 = arith.constant 0 : i32
      %dma_start3A_659 = arith.constant 0 : i32
      %dma_start3A_660 = tpu.memref_slice %arg6[%dma_start3A_656, %dma_start3A_658, %dma_start3A_659] : memref<8x128x64xf32, #tpu.memory_space<vmem>> -> memref<1x128x64xf32, #tpu.memory_space<vmem>>
      %dma_start3A_661 = tpu.memref_squeeze %dma_start3A_660 : memref<1x128x64xf32, #tpu.memory_space<vmem>> -> memref<128x64xf32, #tpu.memory_space<vmem>>
      %dma_start3A_662 = arith.constant 0 : i32
      %dma_start3A_663 = tpu.memref_slice %arg4[%add3A_655, %dma_start3A_662] : memref<425984x64xf32, #tpu.memory_space<hbm>> -> memref<128x64xf32, #tpu.memory_space<hbm>>
      %dma_start3A_664 = tpu.memref_slice %arg8[%dma_start3A_657] : memref<8x!tpu.dma_semaphore, #tpu.memory_space<semaphore_mem>> -> memref<1x!tpu.dma_semaphore, #tpu.memory_space<semaphore_mem>>
      %dma_start3A_665 = tpu.memref_squeeze %dma_start3A_664 : memref<1x!tpu.dma_semaphore, #tpu.memory_space<semaphore_mem>> -> memref<!tpu.dma_semaphore, #tpu.memory_space<semaphore_mem>>
      %dma_start3A_666 = arith.constant 0 : i32
      %dma_start3A_667 = tpu.memref_slice %arg4[%add3A_655, %dma_start3A_666] : memref<425984x64xf32, #tpu.memory_space<hbm>> -> memref<128x64xf32, #tpu.memory_space<hbm>>
      %dma_start3A_668 = arith.constant 0 : i32
      %dma_start3A_669 = arith.constant 0 : i32
      %dma_start3A_670 = tpu.memref_slice %arg6[%dma_start3A_656, %dma_start3A_668, %dma_start3A_669] : memref<8x128x64xf32, #tpu.memory_space<vmem>> -> memref<1x128x64xf32, #tpu.memory_space<vmem>>
      %dma_start3A_671 = tpu.memref_squeeze %dma_start3A_670 : memref<1x128x64xf32, #tpu.memory_space<vmem>> -> memref<128x64xf32, #tpu.memory_space<vmem>>
      tpu.enqueue_dma source(%dma_start3A_671 : memref<128x64xf32, #tpu.memory_space<vmem>>) target(%dma_start3A_667 : memref<128x64xf32, #tpu.memory_space<hbm>>) target_semaphore(%dma_start3A_665 : memref<!tpu.dma_semaphore, #tpu.memory_space<semaphore_mem>>)
      %add3A_672 = arith.constant 3 : i32
      %add3A_673 = arith.addi %mul3A_560, %add3A_672 : i32
      %dma_wait3A_674 = arith.constant 3 : i32
      %dma_wait3A_675 = arith.constant 3 : i32
      %dma_wait3A_676 = arith.constant 0 : i32
      %dma_wait3A_677 = arith.constant 0 : i32
      %dma_wait3A_678 = tpu.memref_slice %arg6[%dma_wait3A_674, %dma_wait3A_676, %dma_wait3A_677] : memref<8x128x64xf32, #tpu.memory_space<vmem>> -> memref<1x128x64xf32, #tpu.memory_space<vmem>>
      %dma_wait3A_679 = tpu.memref_squeeze %dma_wait3A_678 : memref<1x128x64xf32, #tpu.memory_space<vmem>> -> memref<128x64xf32, #tpu.memory_space<vmem>>
      %dma_wait3A_680 = arith.constant 0 : i32
      %dma_wait3A_681 = tpu.memref_slice %arg5[%add3A_673, %dma_wait3A_680] : memref<104x128xi32, #tpu.memory_space<vmem>> -> memref<1x128xi32, #tpu.memory_space<vmem>>
      %dma_wait3A_682 = tpu.memref_squeeze %dma_wait3A_681 : memref<1x128xi32, #tpu.memory_space<vmem>> -> memref<128xi32, #tpu.memory_space<vmem>>
      %dma_wait3A_683 = arith.constant 0 : i32
      %dma_wait3A_684 = arith.constant 0 : i32
      %dma_wait3A_685 = tpu.memref_slice %arg3[%dma_wait3A_683, %dma_wait3A_684] : memref<2600000x64xf32, #tpu.memory_space<hbm>> -> memref<2600000x64xf32, #tpu.memory_space<hbm>>
      %dma_wait3A_686 = tpu.memref_slice %arg7[%dma_wait3A_675] : memref<8x!tpu.dma_semaphore, #tpu.memory_space<semaphore_mem>> -> memref<1x!tpu.dma_semaphore, #tpu.memory_space<semaphore_mem>>
      %dma_wait3A_687 = tpu.memref_squeeze %dma_wait3A_686 : memref<1x!tpu.dma_semaphore, #tpu.memory_space<semaphore_mem>> -> memref<!tpu.dma_semaphore, #tpu.memory_space<semaphore_mem>>
      tpu.wait_indirect_dma semaphore(%dma_wait3A_687 : memref<!tpu.dma_semaphore, #tpu.memory_space<semaphore_mem>>) src(%dma_wait3A_685 : memref<2600000x64xf32, #tpu.memory_space<hbm>>) dst(%dma_wait3A_679 : memref<128x64xf32, #tpu.memory_space<vmem>>)
      %add3A_688 = arith.constant 3 : i32
      %add3A_689 = arith.addi %mul3A_560, %add3A_688 : i32
      %mul3A_690 = arith.constant 128 : i32
      %mul3A_691 = arith.muli %add3A_689, %mul3A_690 : i32
      %add3A_692 = arith.addi %mul3A_22, %mul3A_691 : i32
      %dma_start3A_693 = arith.constant 3 : i32
      %dma_start3A_694 = arith.constant 3 : i32
      %dma_start3A_695 = arith.constant 0 : i32
      %dma_start3A_696 = arith.constant 0 : i32
      %dma_start3A_697 = tpu.memref_slice %arg6[%dma_start3A_693, %dma_start3A_695, %dma_start3A_696] : memref<8x128x64xf32, #tpu.memory_space<vmem>> -> memref<1x128x64xf32, #tpu.memory_space<vmem>>
      %dma_start3A_698 = tpu.memref_squeeze %dma_start3A_697 : memref<1x128x64xf32, #tpu.memory_space<vmem>> -> memref<128x64xf32, #tpu.memory_space<vmem>>
      %dma_start3A_699 = arith.constant 0 : i32
      %dma_start3A_700 = tpu.memref_slice %arg4[%add3A_692, %dma_start3A_699] : memref<425984x64xf32, #tpu.memory_space<hbm>> -> memref<128x64xf32, #tpu.memory_space<hbm>>
      %dma_start3A_701 = tpu.memref_slice %arg8[%dma_start3A_694] : memref<8x!tpu.dma_semaphore, #tpu.memory_space<semaphore_mem>> -> memref<1x!tpu.dma_semaphore, #tpu.memory_space<semaphore_mem>>
      %dma_start3A_702 = tpu.memref_squeeze %dma_start3A_701 : memref<1x!tpu.dma_semaphore, #tpu.memory_space<semaphore_mem>> -> memref<!tpu.dma_semaphore, #tpu.memory_space<semaphore_mem>>
      %dma_start3A_703 = arith.constant 0 : i32
      %dma_start3A_704 = tpu.memref_slice %arg4[%add3A_692, %dma_start3A_703] : memref<425984x64xf32, #tpu.memory_space<hbm>> -> memref<128x64xf32, #tpu.memory_space<hbm>>
      %dma_start3A_705 = arith.constant 0 : i32
      %dma_start3A_706 = arith.constant 0 : i32
      %dma_start3A_707 = tpu.memref_slice %arg6[%dma_start3A_693, %dma_start3A_705, %dma_start3A_706] : memref<8x128x64xf32, #tpu.memory_space<vmem>> -> memref<1x128x64xf32, #tpu.memory_space<vmem>>
      %dma_start3A_708 = tpu.memref_squeeze %dma_start3A_707 : memref<1x128x64xf32, #tpu.memory_space<vmem>> -> memref<128x64xf32, #tpu.memory_space<vmem>>
      tpu.enqueue_dma source(%dma_start3A_708 : memref<128x64xf32, #tpu.memory_space<vmem>>) target(%dma_start3A_704 : memref<128x64xf32, #tpu.memory_space<hbm>>) target_semaphore(%dma_start3A_702 : memref<!tpu.dma_semaphore, #tpu.memory_space<semaphore_mem>>)
      %add3A_709 = arith.constant 4 : i32
      %add3A_710 = arith.addi %mul3A_560, %add3A_709 : i32
      %dma_wait3A_711 = arith.constant 4 : i32
      %dma_wait3A_712 = arith.constant 4 : i32
      %dma_wait3A_713 = arith.constant 0 : i32
      %dma_wait3A_714 = arith.constant 0 : i32
      %dma_wait3A_715 = tpu.memref_slice %arg6[%dma_wait3A_711, %dma_wait3A_713, %dma_wait3A_714] : memref<8x128x64xf32, #tpu.memory_space<vmem>> -> memref<1x128x64xf32, #tpu.memory_space<vmem>>
      %dma_wait3A_716 = tpu.memref_squeeze %dma_wait3A_715 : memref<1x128x64xf32, #tpu.memory_space<vmem>> -> memref<128x64xf32, #tpu.memory_space<vmem>>
      %dma_wait3A_717 = arith.constant 0 : i32
      %dma_wait3A_718 = tpu.memref_slice %arg5[%add3A_710, %dma_wait3A_717] : memref<104x128xi32, #tpu.memory_space<vmem>> -> memref<1x128xi32, #tpu.memory_space<vmem>>
      %dma_wait3A_719 = tpu.memref_squeeze %dma_wait3A_718 : memref<1x128xi32, #tpu.memory_space<vmem>> -> memref<128xi32, #tpu.memory_space<vmem>>
      %dma_wait3A_720 = arith.constant 0 : i32
      %dma_wait3A_721 = arith.constant 0 : i32
      %dma_wait3A_722 = tpu.memref_slice %arg3[%dma_wait3A_720, %dma_wait3A_721] : memref<2600000x64xf32, #tpu.memory_space<hbm>> -> memref<2600000x64xf32, #tpu.memory_space<hbm>>
      %dma_wait3A_723 = tpu.memref_slice %arg7[%dma_wait3A_712] : memref<8x!tpu.dma_semaphore, #tpu.memory_space<semaphore_mem>> -> memref<1x!tpu.dma_semaphore, #tpu.memory_space<semaphore_mem>>
      %dma_wait3A_724 = tpu.memref_squeeze %dma_wait3A_723 : memref<1x!tpu.dma_semaphore, #tpu.memory_space<semaphore_mem>> -> memref<!tpu.dma_semaphore, #tpu.memory_space<semaphore_mem>>
      tpu.wait_indirect_dma semaphore(%dma_wait3A_724 : memref<!tpu.dma_semaphore, #tpu.memory_space<semaphore_mem>>) src(%dma_wait3A_722 : memref<2600000x64xf32, #tpu.memory_space<hbm>>) dst(%dma_wait3A_716 : memref<128x64xf32, #tpu.memory_space<vmem>>)
      %add3A_725 = arith.constant 4 : i32
      %add3A_726 = arith.addi %mul3A_560, %add3A_725 : i32
      %mul3A_727 = arith.constant 128 : i32
      %mul3A_728 = arith.muli %add3A_726, %mul3A_727 : i32
      %add3A_729 = arith.addi %mul3A_22, %mul3A_728 : i32
      %dma_start3A_730 = arith.constant 4 : i32
      %dma_start3A_731 = arith.constant 4 : i32
      %dma_start3A_732 = arith.constant 0 : i32
      %dma_start3A_733 = arith.constant 0 : i32
      %dma_start3A_734 = tpu.memref_slice %arg6[%dma_start3A_730, %dma_start3A_732, %dma_start3A_733] : memref<8x128x64xf32, #tpu.memory_space<vmem>> -> memref<1x128x64xf32, #tpu.memory_space<vmem>>
      %dma_start3A_735 = tpu.memref_squeeze %dma_start3A_734 : memref<1x128x64xf32, #tpu.memory_space<vmem>> -> memref<128x64xf32, #tpu.memory_space<vmem>>
      %dma_start3A_736 = arith.constant 0 : i32
      %dma_start3A_737 = tpu.memref_slice %arg4[%add3A_729, %dma_start3A_736] : memref<425984x64xf32, #tpu.memory_space<hbm>> -> memref<128x64xf32, #tpu.memory_space<hbm>>
      %dma_start3A_738 = tpu.memref_slice %arg8[%dma_start3A_731] : memref<8x!tpu.dma_semaphore, #tpu.memory_space<semaphore_mem>> -> memref<1x!tpu.dma_semaphore, #tpu.memory_space<semaphore_mem>>
      %dma_start3A_739 = tpu.memref_squeeze %dma_start3A_738 : memref<1x!tpu.dma_semaphore, #tpu.memory_space<semaphore_mem>> -> memref<!tpu.dma_semaphore, #tpu.memory_space<semaphore_mem>>
      %dma_start3A_740 = arith.constant 0 : i32
      %dma_start3A_741 = tpu.memref_slice %arg4[%add3A_729, %dma_start3A_740] : memref<425984x64xf32, #tpu.memory_space<hbm>> -> memref<128x64xf32, #tpu.memory_space<hbm>>
      %dma_start3A_742 = arith.constant 0 : i32
      %dma_start3A_743 = arith.constant 0 : i32
      %dma_start3A_744 = tpu.memref_slice %arg6[%dma_start3A_730, %dma_start3A_742, %dma_start3A_743] : memref<8x128x64xf32, #tpu.memory_space<vmem>> -> memref<1x128x64xf32, #tpu.memory_space<vmem>>
      %dma_start3A_745 = tpu.memref_squeeze %dma_start3A_744 : memref<1x128x64xf32, #tpu.memory_space<vmem>> -> memref<128x64xf32, #tpu.memory_space<vmem>>
      tpu.enqueue_dma source(%dma_start3A_745 : memref<128x64xf32, #tpu.memory_space<vmem>>) target(%dma_start3A_741 : memref<128x64xf32, #tpu.memory_space<hbm>>) target_semaphore(%dma_start3A_739 : memref<!tpu.dma_semaphore, #tpu.memory_space<semaphore_mem>>)
      %add3A_746 = arith.constant 5 : i32
      %add3A_747 = arith.addi %mul3A_560, %add3A_746 : i32
      %dma_wait3A_748 = arith.constant 5 : i32
      %dma_wait3A_749 = arith.constant 5 : i32
      %dma_wait3A_750 = arith.constant 0 : i32
      %dma_wait3A_751 = arith.constant 0 : i32
      %dma_wait3A_752 = tpu.memref_slice %arg6[%dma_wait3A_748, %dma_wait3A_750, %dma_wait3A_751] : memref<8x128x64xf32, #tpu.memory_space<vmem>> -> memref<1x128x64xf32, #tpu.memory_space<vmem>>
      %dma_wait3A_753 = tpu.memref_squeeze %dma_wait3A_752 : memref<1x128x64xf32, #tpu.memory_space<vmem>> -> memref<128x64xf32, #tpu.memory_space<vmem>>
      %dma_wait3A_754 = arith.constant 0 : i32
      %dma_wait3A_755 = tpu.memref_slice %arg5[%add3A_747, %dma_wait3A_754] : memref<104x128xi32, #tpu.memory_space<vmem>> -> memref<1x128xi32, #tpu.memory_space<vmem>>
      %dma_wait3A_756 = tpu.memref_squeeze %dma_wait3A_755 : memref<1x128xi32, #tpu.memory_space<vmem>> -> memref<128xi32, #tpu.memory_space<vmem>>
      %dma_wait3A_757 = arith.constant 0 : i32
      %dma_wait3A_758 = arith.constant 0 : i32
      %dma_wait3A_759 = tpu.memref_slice %arg3[%dma_wait3A_757, %dma_wait3A_758] : memref<2600000x64xf32, #tpu.memory_space<hbm>> -> memref<2600000x64xf32, #tpu.memory_space<hbm>>
      %dma_wait3A_760 = tpu.memref_slice %arg7[%dma_wait3A_749] : memref<8x!tpu.dma_semaphore, #tpu.memory_space<semaphore_mem>> -> memref<1x!tpu.dma_semaphore, #tpu.memory_space<semaphore_mem>>
      %dma_wait3A_761 = tpu.memref_squeeze %dma_wait3A_760 : memref<1x!tpu.dma_semaphore, #tpu.memory_space<semaphore_mem>> -> memref<!tpu.dma_semaphore, #tpu.memory_space<semaphore_mem>>
      tpu.wait_indirect_dma semaphore(%dma_wait3A_761 : memref<!tpu.dma_semaphore, #tpu.memory_space<semaphore_mem>>) src(%dma_wait3A_759 : memref<2600000x64xf32, #tpu.memory_space<hbm>>) dst(%dma_wait3A_753 : memref<128x64xf32, #tpu.memory_space<vmem>>)
      %add3A_762 = arith.constant 5 : i32
      %add3A_763 = arith.addi %mul3A_560, %add3A_762 : i32
      %mul3A_764 = arith.constant 128 : i32
      %mul3A_765 = arith.muli %add3A_763, %mul3A_764 : i32
      %add3A_766 = arith.addi %mul3A_22, %mul3A_765 : i32
      %dma_start3A_767 = arith.constant 5 : i32
      %dma_start3A_768 = arith.constant 5 : i32
      %dma_start3A_769 = arith.constant 0 : i32
      %dma_start3A_770 = arith.constant 0 : i32
      %dma_start3A_771 = tpu.memref_slice %arg6[%dma_start3A_767, %dma_start3A_769, %dma_start3A_770] : memref<8x128x64xf32, #tpu.memory_space<vmem>> -> memref<1x128x64xf32, #tpu.memory_space<vmem>>
      %dma_start3A_772 = tpu.memref_squeeze %dma_start3A_771 : memref<1x128x64xf32, #tpu.memory_space<vmem>> -> memref<128x64xf32, #tpu.memory_space<vmem>>
      %dma_start3A_773 = arith.constant 0 : i32
      %dma_start3A_774 = tpu.memref_slice %arg4[%add3A_766, %dma_start3A_773] : memref<425984x64xf32, #tpu.memory_space<hbm>> -> memref<128x64xf32, #tpu.memory_space<hbm>>
      %dma_start3A_775 = tpu.memref_slice %arg8[%dma_start3A_768] : memref<8x!tpu.dma_semaphore, #tpu.memory_space<semaphore_mem>> -> memref<1x!tpu.dma_semaphore, #tpu.memory_space<semaphore_mem>>
      %dma_start3A_776 = tpu.memref_squeeze %dma_start3A_775 : memref<1x!tpu.dma_semaphore, #tpu.memory_space<semaphore_mem>> -> memref<!tpu.dma_semaphore, #tpu.memory_space<semaphore_mem>>
      %dma_start3A_777 = arith.constant 0 : i32
      %dma_start3A_778 = tpu.memref_slice %arg4[%add3A_766, %dma_start3A_777] : memref<425984x64xf32, #tpu.memory_space<hbm>> -> memref<128x64xf32, #tpu.memory_space<hbm>>
      %dma_start3A_779 = arith.constant 0 : i32
      %dma_start3A_780 = arith.constant 0 : i32
      %dma_start3A_781 = tpu.memref_slice %arg6[%dma_start3A_767, %dma_start3A_779, %dma_start3A_780] : memref<8x128x64xf32, #tpu.memory_space<vmem>> -> memref<1x128x64xf32, #tpu.memory_space<vmem>>
      %dma_start3A_782 = tpu.memref_squeeze %dma_start3A_781 : memref<1x128x64xf32, #tpu.memory_space<vmem>> -> memref<128x64xf32, #tpu.memory_space<vmem>>
      tpu.enqueue_dma source(%dma_start3A_782 : memref<128x64xf32, #tpu.memory_space<vmem>>) target(%dma_start3A_778 : memref<128x64xf32, #tpu.memory_space<hbm>>) target_semaphore(%dma_start3A_776 : memref<!tpu.dma_semaphore, #tpu.memory_space<semaphore_mem>>)
      %add3A_783 = arith.constant 6 : i32
      %add3A_784 = arith.addi %mul3A_560, %add3A_783 : i32
      %dma_wait3A_785 = arith.constant 6 : i32
      %dma_wait3A_786 = arith.constant 6 : i32
      %dma_wait3A_787 = arith.constant 0 : i32
      %dma_wait3A_788 = arith.constant 0 : i32
      %dma_wait3A_789 = tpu.memref_slice %arg6[%dma_wait3A_785, %dma_wait3A_787, %dma_wait3A_788] : memref<8x128x64xf32, #tpu.memory_space<vmem>> -> memref<1x128x64xf32, #tpu.memory_space<vmem>>
      %dma_wait3A_790 = tpu.memref_squeeze %dma_wait3A_789 : memref<1x128x64xf32, #tpu.memory_space<vmem>> -> memref<128x64xf32, #tpu.memory_space<vmem>>
      %dma_wait3A_791 = arith.constant 0 : i32
      %dma_wait3A_792 = tpu.memref_slice %arg5[%add3A_784, %dma_wait3A_791] : memref<104x128xi32, #tpu.memory_space<vmem>> -> memref<1x128xi32, #tpu.memory_space<vmem>>
      %dma_wait3A_793 = tpu.memref_squeeze %dma_wait3A_792 : memref<1x128xi32, #tpu.memory_space<vmem>> -> memref<128xi32, #tpu.memory_space<vmem>>
      %dma_wait3A_794 = arith.constant 0 : i32
      %dma_wait3A_795 = arith.constant 0 : i32
      %dma_wait3A_796 = tpu.memref_slice %arg3[%dma_wait3A_794, %dma_wait3A_795] : memref<2600000x64xf32, #tpu.memory_space<hbm>> -> memref<2600000x64xf32, #tpu.memory_space<hbm>>
      %dma_wait3A_797 = tpu.memref_slice %arg7[%dma_wait3A_786] : memref<8x!tpu.dma_semaphore, #tpu.memory_space<semaphore_mem>> -> memref<1x!tpu.dma_semaphore, #tpu.memory_space<semaphore_mem>>
      %dma_wait3A_798 = tpu.memref_squeeze %dma_wait3A_797 : memref<1x!tpu.dma_semaphore, #tpu.memory_space<semaphore_mem>> -> memref<!tpu.dma_semaphore, #tpu.memory_space<semaphore_mem>>
      tpu.wait_indirect_dma semaphore(%dma_wait3A_798 : memref<!tpu.dma_semaphore, #tpu.memory_space<semaphore_mem>>) src(%dma_wait3A_796 : memref<2600000x64xf32, #tpu.memory_space<hbm>>) dst(%dma_wait3A_790 : memref<128x64xf32, #tpu.memory_space<vmem>>)
      %add3A_799 = arith.constant 6 : i32
      %add3A_800 = arith.addi %mul3A_560, %add3A_799 : i32
      %mul3A_801 = arith.constant 128 : i32
      %mul3A_802 = arith.muli %add3A_800, %mul3A_801 : i32
      %add3A_803 = arith.addi %mul3A_22, %mul3A_802 : i32
      %dma_start3A_804 = arith.constant 6 : i32
      %dma_start3A_805 = arith.constant 6 : i32
      %dma_start3A_806 = arith.constant 0 : i32
      %dma_start3A_807 = arith.constant 0 : i32
      %dma_start3A_808 = tpu.memref_slice %arg6[%dma_start3A_804, %dma_start3A_806, %dma_start3A_807] : memref<8x128x64xf32, #tpu.memory_space<vmem>> -> memref<1x128x64xf32, #tpu.memory_space<vmem>>
      %dma_start3A_809 = tpu.memref_squeeze %dma_start3A_808 : memref<1x128x64xf32, #tpu.memory_space<vmem>> -> memref<128x64xf32, #tpu.memory_space<vmem>>
      %dma_start3A_810 = arith.constant 0 : i32
      %dma_start3A_811 = tpu.memref_slice %arg4[%add3A_803, %dma_start3A_810] : memref<425984x64xf32, #tpu.memory_space<hbm>> -> memref<128x64xf32, #tpu.memory_space<hbm>>
      %dma_start3A_812 = tpu.memref_slice %arg8[%dma_start3A_805] : memref<8x!tpu.dma_semaphore, #tpu.memory_space<semaphore_mem>> -> memref<1x!tpu.dma_semaphore, #tpu.memory_space<semaphore_mem>>
      %dma_start3A_813 = tpu.memref_squeeze %dma_start3A_812 : memref<1x!tpu.dma_semaphore, #tpu.memory_space<semaphore_mem>> -> memref<!tpu.dma_semaphore, #tpu.memory_space<semaphore_mem>>
      %dma_start3A_814 = arith.constant 0 : i32
      %dma_start3A_815 = tpu.memref_slice %arg4[%add3A_803, %dma_start3A_814] : memref<425984x64xf32, #tpu.memory_space<hbm>> -> memref<128x64xf32, #tpu.memory_space<hbm>>
      %dma_start3A_816 = arith.constant 0 : i32
      %dma_start3A_817 = arith.constant 0 : i32
      %dma_start3A_818 = tpu.memref_slice %arg6[%dma_start3A_804, %dma_start3A_816, %dma_start3A_817] : memref<8x128x64xf32, #tpu.memory_space<vmem>> -> memref<1x128x64xf32, #tpu.memory_space<vmem>>
      %dma_start3A_819 = tpu.memref_squeeze %dma_start3A_818 : memref<1x128x64xf32, #tpu.memory_space<vmem>> -> memref<128x64xf32, #tpu.memory_space<vmem>>
      tpu.enqueue_dma source(%dma_start3A_819 : memref<128x64xf32, #tpu.memory_space<vmem>>) target(%dma_start3A_815 : memref<128x64xf32, #tpu.memory_space<hbm>>) target_semaphore(%dma_start3A_813 : memref<!tpu.dma_semaphore, #tpu.memory_space<semaphore_mem>>)
      %add3A_820 = arith.constant 7 : i32
      %add3A_821 = arith.addi %mul3A_560, %add3A_820 : i32
      %dma_wait3A_822 = arith.constant 7 : i32
      %dma_wait3A_823 = arith.constant 7 : i32
      %dma_wait3A_824 = arith.constant 0 : i32
      %dma_wait3A_825 = arith.constant 0 : i32
      %dma_wait3A_826 = tpu.memref_slice %arg6[%dma_wait3A_822, %dma_wait3A_824, %dma_wait3A_825] : memref<8x128x64xf32, #tpu.memory_space<vmem>> -> memref<1x128x64xf32, #tpu.memory_space<vmem>>
      %dma_wait3A_827 = tpu.memref_squeeze %dma_wait3A_826 : memref<1x128x64xf32, #tpu.memory_space<vmem>> -> memref<128x64xf32, #tpu.memory_space<vmem>>
      %dma_wait3A_828 = arith.constant 0 : i32
      %dma_wait3A_829 = tpu.memref_slice %arg5[%add3A_821, %dma_wait3A_828] : memref<104x128xi32, #tpu.memory_space<vmem>> -> memref<1x128xi32, #tpu.memory_space<vmem>>
      %dma_wait3A_830 = tpu.memref_squeeze %dma_wait3A_829 : memref<1x128xi32, #tpu.memory_space<vmem>> -> memref<128xi32, #tpu.memory_space<vmem>>
      %dma_wait3A_831 = arith.constant 0 : i32
      %dma_wait3A_832 = arith.constant 0 : i32
      %dma_wait3A_833 = tpu.memref_slice %arg3[%dma_wait3A_831, %dma_wait3A_832] : memref<2600000x64xf32, #tpu.memory_space<hbm>> -> memref<2600000x64xf32, #tpu.memory_space<hbm>>
      %dma_wait3A_834 = tpu.memref_slice %arg7[%dma_wait3A_823] : memref<8x!tpu.dma_semaphore, #tpu.memory_space<semaphore_mem>> -> memref<1x!tpu.dma_semaphore, #tpu.memory_space<semaphore_mem>>
      %dma_wait3A_835 = tpu.memref_squeeze %dma_wait3A_834 : memref<1x!tpu.dma_semaphore, #tpu.memory_space<semaphore_mem>> -> memref<!tpu.dma_semaphore, #tpu.memory_space<semaphore_mem>>
      tpu.wait_indirect_dma semaphore(%dma_wait3A_835 : memref<!tpu.dma_semaphore, #tpu.memory_space<semaphore_mem>>) src(%dma_wait3A_833 : memref<2600000x64xf32, #tpu.memory_space<hbm>>) dst(%dma_wait3A_827 : memref<128x64xf32, #tpu.memory_space<vmem>>)
      %add3A_836 = arith.constant 7 : i32
      %add3A_837 = arith.addi %mul3A_560, %add3A_836 : i32
      %mul3A_838 = arith.constant 128 : i32
      %mul3A_839 = arith.muli %add3A_837, %mul3A_838 : i32
      %add3A_840 = arith.addi %mul3A_22, %mul3A_839 : i32
      %dma_start3A_841 = arith.constant 7 : i32
      %dma_start3A_842 = arith.constant 7 : i32
      %dma_start3A_843 = arith.constant 0 : i32
      %dma_start3A_844 = arith.constant 0 : i32
      %dma_start3A_845 = tpu.memref_slice %arg6[%dma_start3A_841, %dma_start3A_843, %dma_start3A_844] : memref<8x128x64xf32, #tpu.memory_space<vmem>> -> memref<1x128x64xf32, #tpu.memory_space<vmem>>
      %dma_start3A_846 = tpu.memref_squeeze %dma_start3A_845 : memref<1x128x64xf32, #tpu.memory_space<vmem>> -> memref<128x64xf32, #tpu.memory_space<vmem>>
      %dma_start3A_847 = arith.constant 0 : i32
      %dma_start3A_848 = tpu.memref_slice %arg4[%add3A_840, %dma_start3A_847] : memref<425984x64xf32, #tpu.memory_space<hbm>> -> memref<128x64xf32, #tpu.memory_space<hbm>>
      %dma_start3A_849 = tpu.memref_slice %arg8[%dma_start3A_842] : memref<8x!tpu.dma_semaphore, #tpu.memory_space<semaphore_mem>> -> memref<1x!tpu.dma_semaphore, #tpu.memory_space<semaphore_mem>>
      %dma_start3A_850 = tpu.memref_squeeze %dma_start3A_849 : memref<1x!tpu.dma_semaphore, #tpu.memory_space<semaphore_mem>> -> memref<!tpu.dma_semaphore, #tpu.memory_space<semaphore_mem>>
      %dma_start3A_851 = arith.constant 0 : i32
      %dma_start3A_852 = tpu.memref_slice %arg4[%add3A_840, %dma_start3A_851] : memref<425984x64xf32, #tpu.memory_space<hbm>> -> memref<128x64xf32, #tpu.memory_space<hbm>>
      %dma_start3A_853 = arith.constant 0 : i32
      %dma_start3A_854 = arith.constant 0 : i32
      %dma_start3A_855 = tpu.memref_slice %arg6[%dma_start3A_841, %dma_start3A_853, %dma_start3A_854] : memref<8x128x64xf32, #tpu.memory_space<vmem>> -> memref<1x128x64xf32, #tpu.memory_space<vmem>>
      %dma_start3A_856 = tpu.memref_squeeze %dma_start3A_855 : memref<1x128x64xf32, #tpu.memory_space<vmem>> -> memref<128x64xf32, #tpu.memory_space<vmem>>
      tpu.enqueue_dma source(%dma_start3A_856 : memref<128x64xf32, #tpu.memory_space<vmem>>) target(%dma_start3A_852 : memref<128x64xf32, #tpu.memory_space<hbm>>) target_semaphore(%dma_start3A_850 : memref<!tpu.dma_semaphore, #tpu.memory_space<semaphore_mem>>)
      %add3A_857 = arith.constant 0 : i32
      %add3A_858 = arith.addi %mul3A_560, %add3A_857 : i32
      %mul3A_859 = arith.constant 128 : i32
      %mul3A_860 = arith.muli %add3A_858, %mul3A_859 : i32
      %add3A_861 = arith.addi %mul3A_22, %mul3A_860 : i32
      %dma_wait3A_862 = arith.constant 0 : i32
      %dma_wait3A_863 = arith.constant 0 : i32
      %dma_wait3A_864 = arith.constant 0 : i32
      %dma_wait3A_865 = arith.constant 0 : i32
      %dma_wait3A_866 = tpu.memref_slice %arg6[%dma_wait3A_862, %dma_wait3A_864, %dma_wait3A_865] : memref<8x128x64xf32, #tpu.memory_space<vmem>> -> memref<1x128x64xf32, #tpu.memory_space<vmem>>
      %dma_wait3A_867 = tpu.memref_squeeze %dma_wait3A_866 : memref<1x128x64xf32, #tpu.memory_space<vmem>> -> memref<128x64xf32, #tpu.memory_space<vmem>>
      %dma_wait3A_868 = arith.constant 0 : i32
      %dma_wait3A_869 = tpu.memref_slice %arg4[%add3A_861, %dma_wait3A_868] : memref<425984x64xf32, #tpu.memory_space<hbm>> -> memref<128x64xf32, #tpu.memory_space<hbm>>
      %dma_wait3A_870 = tpu.memref_slice %arg8[%dma_wait3A_863] : memref<8x!tpu.dma_semaphore, #tpu.memory_space<semaphore_mem>> -> memref<1x!tpu.dma_semaphore, #tpu.memory_space<semaphore_mem>>
      %dma_wait3A_871 = tpu.memref_squeeze %dma_wait3A_870 : memref<1x!tpu.dma_semaphore, #tpu.memory_space<semaphore_mem>> -> memref<!tpu.dma_semaphore, #tpu.memory_space<semaphore_mem>>
      %dma_wait3A_872 = arith.constant 0 : i32
      %dma_wait3A_873 = tpu.memref_slice %arg4[%add3A_861, %dma_wait3A_872] : memref<425984x64xf32, #tpu.memory_space<hbm>> -> memref<128x64xf32, #tpu.memory_space<hbm>>
      %dma_wait3A_874 = arith.constant 0 : i32
      %dma_wait3A_875 = arith.constant 0 : i32
      %dma_wait3A_876 = tpu.memref_slice %arg6[%dma_wait3A_862, %dma_wait3A_874, %dma_wait3A_875] : memref<8x128x64xf32, #tpu.memory_space<vmem>> -> memref<1x128x64xf32, #tpu.memory_space<vmem>>
      %dma_wait3A_877 = tpu.memref_squeeze %dma_wait3A_876 : memref<1x128x64xf32, #tpu.memory_space<vmem>> -> memref<128x64xf32, #tpu.memory_space<vmem>>
      tpu.wait_dma2 semaphore(%dma_wait3A_871 : memref<!tpu.dma_semaphore, #tpu.memory_space<semaphore_mem>>) src(%dma_wait3A_877 : memref<128x64xf32, #tpu.memory_space<vmem>>) dst(%dma_wait3A_873 : memref<128x64xf32, #tpu.memory_space<hbm>>)
      %add3A_878 = arith.constant 8 : i32
      %add3A_879 = arith.addi %mul3A_560, %add3A_878 : i32
      %add3A_880 = arith.constant 0 : i32
      %add3A_881 = arith.addi %add3A_879, %add3A_880 : i32
      %dma_start3A_882 = arith.constant 0 : i32
      %dma_start3A_883 = arith.constant 0 : i32
      %dma_start3A_884 = arith.constant 0 : i32
      %dma_start3A_885 = arith.constant 0 : i32
      %dma_start3A_886 = tpu.memref_slice %arg6[%dma_start3A_882, %dma_start3A_884, %dma_start3A_885] : memref<8x128x64xf32, #tpu.memory_space<vmem>> -> memref<1x128x64xf32, #tpu.memory_space<vmem>>
      %dma_start3A_887 = tpu.memref_squeeze %dma_start3A_886 : memref<1x128x64xf32, #tpu.memory_space<vmem>> -> memref<128x64xf32, #tpu.memory_space<vmem>>
      %dma_start3A_888 = arith.constant 0 : i32
      %dma_start3A_889 = tpu.memref_slice %arg5[%add3A_881, %dma_start3A_888] : memref<104x128xi32, #tpu.memory_space<vmem>> -> memref<1x128xi32, #tpu.memory_space<vmem>>
      %dma_start3A_890 = tpu.memref_squeeze %dma_start3A_889 : memref<1x128xi32, #tpu.memory_space<vmem>> -> memref<128xi32, #tpu.memory_space<vmem>>
      %dma_start3A_891 = arith.constant 0 : i32
      %dma_start3A_892 = arith.constant 0 : i32
      %dma_start3A_893 = tpu.memref_slice %arg3[%dma_start3A_891, %dma_start3A_892] : memref<2600000x64xf32, #tpu.memory_space<hbm>> -> memref<2600000x64xf32, #tpu.memory_space<hbm>>
      %dma_start3A_894 = tpu.memref_slice %arg7[%dma_start3A_883] : memref<8x!tpu.dma_semaphore, #tpu.memory_space<semaphore_mem>> -> memref<1x!tpu.dma_semaphore, #tpu.memory_space<semaphore_mem>>
      %dma_start3A_895 = tpu.memref_squeeze %dma_start3A_894 : memref<1x!tpu.dma_semaphore, #tpu.memory_space<semaphore_mem>> -> memref<!tpu.dma_semaphore, #tpu.memory_space<semaphore_mem>>
      tpu.enqueue_indirect_dma source(%dma_start3A_893 : memref<2600000x64xf32, #tpu.memory_space<hbm>>) target(%dma_start3A_887 : memref<128x64xf32, #tpu.memory_space<vmem>>) offsets(%dma_start3A_890 : memref<128xi32, #tpu.memory_space<vmem>>) semaphore(%dma_start3A_895 : memref<!tpu.dma_semaphore, #tpu.memory_space<semaphore_mem>>)
      %add3A_896 = arith.constant 1 : i32
      %add3A_897 = arith.addi %mul3A_560, %add3A_896 : i32
      %mul3A_898 = arith.constant 128 : i32
      %mul3A_899 = arith.muli %add3A_897, %mul3A_898 : i32
      %add3A_900 = arith.addi %mul3A_22, %mul3A_899 : i32
      %dma_wait3A_901 = arith.constant 1 : i32
      %dma_wait3A_902 = arith.constant 1 : i32
      %dma_wait3A_903 = arith.constant 0 : i32
      %dma_wait3A_904 = arith.constant 0 : i32
      %dma_wait3A_905 = tpu.memref_slice %arg6[%dma_wait3A_901, %dma_wait3A_903, %dma_wait3A_904] : memref<8x128x64xf32, #tpu.memory_space<vmem>> -> memref<1x128x64xf32, #tpu.memory_space<vmem>>
      %dma_wait3A_906 = tpu.memref_squeeze %dma_wait3A_905 : memref<1x128x64xf32, #tpu.memory_space<vmem>> -> memref<128x64xf32, #tpu.memory_space<vmem>>
      %dma_wait3A_907 = arith.constant 0 : i32
      %dma_wait3A_908 = tpu.memref_slice %arg4[%add3A_900, %dma_wait3A_907] : memref<425984x64xf32, #tpu.memory_space<hbm>> -> memref<128x64xf32, #tpu.memory_space<hbm>>
      %dma_wait3A_909 = tpu.memref_slice %arg8[%dma_wait3A_902] : memref<8x!tpu.dma_semaphore, #tpu.memory_space<semaphore_mem>> -> memref<1x!tpu.dma_semaphore, #tpu.memory_space<semaphore_mem>>
      %dma_wait3A_910 = tpu.memref_squeeze %dma_wait3A_909 : memref<1x!tpu.dma_semaphore, #tpu.memory_space<semaphore_mem>> -> memref<!tpu.dma_semaphore, #tpu.memory_space<semaphore_mem>>
      %dma_wait3A_911 = arith.constant 0 : i32
      %dma_wait3A_912 = tpu.memref_slice %arg4[%add3A_900, %dma_wait3A_911] : memref<425984x64xf32, #tpu.memory_space<hbm>> -> memref<128x64xf32, #tpu.memory_space<hbm>>
      %dma_wait3A_913 = arith.constant 0 : i32
      %dma_wait3A_914 = arith.constant 0 : i32
      %dma_wait3A_915 = tpu.memref_slice %arg6[%dma_wait3A_901, %dma_wait3A_913, %dma_wait3A_914] : memref<8x128x64xf32, #tpu.memory_space<vmem>> -> memref<1x128x64xf32, #tpu.memory_space<vmem>>
      %dma_wait3A_916 = tpu.memref_squeeze %dma_wait3A_915 : memref<1x128x64xf32, #tpu.memory_space<vmem>> -> memref<128x64xf32, #tpu.memory_space<vmem>>
      tpu.wait_dma2 semaphore(%dma_wait3A_910 : memref<!tpu.dma_semaphore, #tpu.memory_space<semaphore_mem>>) src(%dma_wait3A_916 : memref<128x64xf32, #tpu.memory_space<vmem>>) dst(%dma_wait3A_912 : memref<128x64xf32, #tpu.memory_space<hbm>>)
      %add3A_917 = arith.constant 8 : i32
      %add3A_918 = arith.addi %mul3A_560, %add3A_917 : i32
      %add3A_919 = arith.constant 1 : i32
      %add3A_920 = arith.addi %add3A_918, %add3A_919 : i32
      %dma_start3A_921 = arith.constant 1 : i32
      %dma_start3A_922 = arith.constant 1 : i32
      %dma_start3A_923 = arith.constant 0 : i32
      %dma_start3A_924 = arith.constant 0 : i32
      %dma_start3A_925 = tpu.memref_slice %arg6[%dma_start3A_921, %dma_start3A_923, %dma_start3A_924] : memref<8x128x64xf32, #tpu.memory_space<vmem>> -> memref<1x128x64xf32, #tpu.memory_space<vmem>>
      %dma_start3A_926 = tpu.memref_squeeze %dma_start3A_925 : memref<1x128x64xf32, #tpu.memory_space<vmem>> -> memref<128x64xf32, #tpu.memory_space<vmem>>
      %dma_start3A_927 = arith.constant 0 : i32
      %dma_start3A_928 = tpu.memref_slice %arg5[%add3A_920, %dma_start3A_927] : memref<104x128xi32, #tpu.memory_space<vmem>> -> memref<1x128xi32, #tpu.memory_space<vmem>>
      %dma_start3A_929 = tpu.memref_squeeze %dma_start3A_928 : memref<1x128xi32, #tpu.memory_space<vmem>> -> memref<128xi32, #tpu.memory_space<vmem>>
      %dma_start3A_930 = arith.constant 0 : i32
      %dma_start3A_931 = arith.constant 0 : i32
      %dma_start3A_932 = tpu.memref_slice %arg3[%dma_start3A_930, %dma_start3A_931] : memref<2600000x64xf32, #tpu.memory_space<hbm>> -> memref<2600000x64xf32, #tpu.memory_space<hbm>>
      %dma_start3A_933 = tpu.memref_slice %arg7[%dma_start3A_922] : memref<8x!tpu.dma_semaphore, #tpu.memory_space<semaphore_mem>> -> memref<1x!tpu.dma_semaphore, #tpu.memory_space<semaphore_mem>>
      %dma_start3A_934 = tpu.memref_squeeze %dma_start3A_933 : memref<1x!tpu.dma_semaphore, #tpu.memory_space<semaphore_mem>> -> memref<!tpu.dma_semaphore, #tpu.memory_space<semaphore_mem>>
      tpu.enqueue_indirect_dma source(%dma_start3A_932 : memref<2600000x64xf32, #tpu.memory_space<hbm>>) target(%dma_start3A_926 : memref<128x64xf32, #tpu.memory_space<vmem>>) offsets(%dma_start3A_929 : memref<128xi32, #tpu.memory_space<vmem>>) semaphore(%dma_start3A_934 : memref<!tpu.dma_semaphore, #tpu.memory_space<semaphore_mem>>)
      %add3A_935 = arith.constant 2 : i32
      %add3A_936 = arith.addi %mul3A_560, %add3A_935 : i32
      %mul3A_937 = arith.constant 128 : i32
      %mul3A_938 = arith.muli %add3A_936, %mul3A_937 : i32
      %add3A_939 = arith.addi %mul3A_22, %mul3A_938 : i32
      %dma_wait3A_940 = arith.constant 2 : i32
      %dma_wait3A_941 = arith.constant 2 : i32
      %dma_wait3A_942 = arith.constant 0 : i32
      %dma_wait3A_943 = arith.constant 0 : i32
      %dma_wait3A_944 = tpu.memref_slice %arg6[%dma_wait3A_940, %dma_wait3A_942, %dma_wait3A_943] : memref<8x128x64xf32, #tpu.memory_space<vmem>> -> memref<1x128x64xf32, #tpu.memory_space<vmem>>
      %dma_wait3A_945 = tpu.memref_squeeze %dma_wait3A_944 : memref<1x128x64xf32, #tpu.memory_space<vmem>> -> memref<128x64xf32, #tpu.memory_space<vmem>>
      %dma_wait3A_946 = arith.constant 0 : i32
      %dma_wait3A_947 = tpu.memref_slice %arg4[%add3A_939, %dma_wait3A_946] : memref<425984x64xf32, #tpu.memory_space<hbm>> -> memref<128x64xf32, #tpu.memory_space<hbm>>
      %dma_wait3A_948 = tpu.memref_slice %arg8[%dma_wait3A_941] : memref<8x!tpu.dma_semaphore, #tpu.memory_space<semaphore_mem>> -> memref<1x!tpu.dma_semaphore, #tpu.memory_space<semaphore_mem>>
      %dma_wait3A_949 = tpu.memref_squeeze %dma_wait3A_948 : memref<1x!tpu.dma_semaphore, #tpu.memory_space<semaphore_mem>> -> memref<!tpu.dma_semaphore, #tpu.memory_space<semaphore_mem>>
      %dma_wait3A_950 = arith.constant 0 : i32
      %dma_wait3A_951 = tpu.memref_slice %arg4[%add3A_939, %dma_wait3A_950] : memref<425984x64xf32, #tpu.memory_space<hbm>> -> memref<128x64xf32, #tpu.memory_space<hbm>>
      %dma_wait3A_952 = arith.constant 0 : i32
      %dma_wait3A_953 = arith.constant 0 : i32
      %dma_wait3A_954 = tpu.memref_slice %arg6[%dma_wait3A_940, %dma_wait3A_952, %dma_wait3A_953] : memref<8x128x64xf32, #tpu.memory_space<vmem>> -> memref<1x128x64xf32, #tpu.memory_space<vmem>>
      %dma_wait3A_955 = tpu.memref_squeeze %dma_wait3A_954 : memref<1x128x64xf32, #tpu.memory_space<vmem>> -> memref<128x64xf32, #tpu.memory_space<vmem>>
      tpu.wait_dma2 semaphore(%dma_wait3A_949 : memref<!tpu.dma_semaphore, #tpu.memory_space<semaphore_mem>>) src(%dma_wait3A_955 : memref<128x64xf32, #tpu.memory_space<vmem>>) dst(%dma_wait3A_951 : memref<128x64xf32, #tpu.memory_space<hbm>>)
      %add3A_956 = arith.constant 8 : i32
      %add3A_957 = arith.addi %mul3A_560, %add3A_956 : i32
      %add3A_958 = arith.constant 2 : i32
      %add3A_959 = arith.addi %add3A_957, %add3A_958 : i32
      %dma_start3A_960 = arith.constant 2 : i32
      %dma_start3A_961 = arith.constant 2 : i32
      %dma_start3A_962 = arith.constant 0 : i32
      %dma_start3A_963 = arith.constant 0 : i32
      %dma_start3A_964 = tpu.memref_slice %arg6[%dma_start3A_960, %dma_start3A_962, %dma_start3A_963] : memref<8x128x64xf32, #tpu.memory_space<vmem>> -> memref<1x128x64xf32, #tpu.memory_space<vmem>>
      %dma_start3A_965 = tpu.memref_squeeze %dma_start3A_964 : memref<1x128x64xf32, #tpu.memory_space<vmem>> -> memref<128x64xf32, #tpu.memory_space<vmem>>
      %dma_start3A_966 = arith.constant 0 : i32
      %dma_start3A_967 = tpu.memref_slice %arg5[%add3A_959, %dma_start3A_966] : memref<104x128xi32, #tpu.memory_space<vmem>> -> memref<1x128xi32, #tpu.memory_space<vmem>>
      %dma_start3A_968 = tpu.memref_squeeze %dma_start3A_967 : memref<1x128xi32, #tpu.memory_space<vmem>> -> memref<128xi32, #tpu.memory_space<vmem>>
      %dma_start3A_969 = arith.constant 0 : i32
      %dma_start3A_970 = arith.constant 0 : i32
      %dma_start3A_971 = tpu.memref_slice %arg3[%dma_start3A_969, %dma_start3A_970] : memref<2600000x64xf32, #tpu.memory_space<hbm>> -> memref<2600000x64xf32, #tpu.memory_space<hbm>>
      %dma_start3A_972 = tpu.memref_slice %arg7[%dma_start3A_961] : memref<8x!tpu.dma_semaphore, #tpu.memory_space<semaphore_mem>> -> memref<1x!tpu.dma_semaphore, #tpu.memory_space<semaphore_mem>>
      %dma_start3A_973 = tpu.memref_squeeze %dma_start3A_972 : memref<1x!tpu.dma_semaphore, #tpu.memory_space<semaphore_mem>> -> memref<!tpu.dma_semaphore, #tpu.memory_space<semaphore_mem>>
      tpu.enqueue_indirect_dma source(%dma_start3A_971 : memref<2600000x64xf32, #tpu.memory_space<hbm>>) target(%dma_start3A_965 : memref<128x64xf32, #tpu.memory_space<vmem>>) offsets(%dma_start3A_968 : memref<128xi32, #tpu.memory_space<vmem>>) semaphore(%dma_start3A_973 : memref<!tpu.dma_semaphore, #tpu.memory_space<semaphore_mem>>)
      %add3A_974 = arith.constant 3 : i32
      %add3A_975 = arith.addi %mul3A_560, %add3A_974 : i32
      %mul3A_976 = arith.constant 128 : i32
      %mul3A_977 = arith.muli %add3A_975, %mul3A_976 : i32
      %add3A_978 = arith.addi %mul3A_22, %mul3A_977 : i32
      %dma_wait3A_979 = arith.constant 3 : i32
      %dma_wait3A_980 = arith.constant 3 : i32
      %dma_wait3A_981 = arith.constant 0 : i32
      %dma_wait3A_982 = arith.constant 0 : i32
      %dma_wait3A_983 = tpu.memref_slice %arg6[%dma_wait3A_979, %dma_wait3A_981, %dma_wait3A_982] : memref<8x128x64xf32, #tpu.memory_space<vmem>> -> memref<1x128x64xf32, #tpu.memory_space<vmem>>
      %dma_wait3A_984 = tpu.memref_squeeze %dma_wait3A_983 : memref<1x128x64xf32, #tpu.memory_space<vmem>> -> memref<128x64xf32, #tpu.memory_space<vmem>>
      %dma_wait3A_985 = arith.constant 0 : i32
      %dma_wait3A_986 = tpu.memref_slice %arg4[%add3A_978, %dma_wait3A_985] : memref<425984x64xf32, #tpu.memory_space<hbm>> -> memref<128x64xf32, #tpu.memory_space<hbm>>
      %dma_wait3A_987 = tpu.memref_slice %arg8[%dma_wait3A_980] : memref<8x!tpu.dma_semaphore, #tpu.memory_space<semaphore_mem>> -> memref<1x!tpu.dma_semaphore, #tpu.memory_space<semaphore_mem>>
      %dma_wait3A_988 = tpu.memref_squeeze %dma_wait3A_987 : memref<1x!tpu.dma_semaphore, #tpu.memory_space<semaphore_mem>> -> memref<!tpu.dma_semaphore, #tpu.memory_space<semaphore_mem>>
      %dma_wait3A_989 = arith.constant 0 : i32
      %dma_wait3A_990 = tpu.memref_slice %arg4[%add3A_978, %dma_wait3A_989] : memref<425984x64xf32, #tpu.memory_space<hbm>> -> memref<128x64xf32, #tpu.memory_space<hbm>>
      %dma_wait3A_991 = arith.constant 0 : i32
      %dma_wait3A_992 = arith.constant 0 : i32
      %dma_wait3A_993 = tpu.memref_slice %arg6[%dma_wait3A_979, %dma_wait3A_991, %dma_wait3A_992] : memref<8x128x64xf32, #tpu.memory_space<vmem>> -> memref<1x128x64xf32, #tpu.memory_space<vmem>>
      %dma_wait3A_994 = tpu.memref_squeeze %dma_wait3A_993 : memref<1x128x64xf32, #tpu.memory_space<vmem>> -> memref<128x64xf32, #tpu.memory_space<vmem>>
      tpu.wait_dma2 semaphore(%dma_wait3A_988 : memref<!tpu.dma_semaphore, #tpu.memory_space<semaphore_mem>>) src(%dma_wait3A_994 : memref<128x64xf32, #tpu.memory_space<vmem>>) dst(%dma_wait3A_990 : memref<128x64xf32, #tpu.memory_space<hbm>>)
      %add3A_995 = arith.constant 8 : i32
      %add3A_996 = arith.addi %mul3A_560, %add3A_995 : i32
      %add3A_997 = arith.constant 3 : i32
      %add3A_998 = arith.addi %add3A_996, %add3A_997 : i32
      %dma_start3A_999 = arith.constant 3 : i32
      %dma_start3A_1000 = arith.constant 3 : i32
      %dma_start3A_1001 = arith.constant 0 : i32
      %dma_start3A_1002 = arith.constant 0 : i32
      %dma_start3A_1003 = tpu.memref_slice %arg6[%dma_start3A_999, %dma_start3A_1001, %dma_start3A_1002] : memref<8x128x64xf32, #tpu.memory_space<vmem>> -> memref<1x128x64xf32, #tpu.memory_space<vmem>>
      %dma_start3A_1004 = tpu.memref_squeeze %dma_start3A_1003 : memref<1x128x64xf32, #tpu.memory_space<vmem>> -> memref<128x64xf32, #tpu.memory_space<vmem>>
      %dma_start3A_1005 = arith.constant 0 : i32
      %dma_start3A_1006 = tpu.memref_slice %arg5[%add3A_998, %dma_start3A_1005] : memref<104x128xi32, #tpu.memory_space<vmem>> -> memref<1x128xi32, #tpu.memory_space<vmem>>
      %dma_start3A_1007 = tpu.memref_squeeze %dma_start3A_1006 : memref<1x128xi32, #tpu.memory_space<vmem>> -> memref<128xi32, #tpu.memory_space<vmem>>
      %dma_start3A_1008 = arith.constant 0 : i32
      %dma_start3A_1009 = arith.constant 0 : i32
      %dma_start3A_1010 = tpu.memref_slice %arg3[%dma_start3A_1008, %dma_start3A_1009] : memref<2600000x64xf32, #tpu.memory_space<hbm>> -> memref<2600000x64xf32, #tpu.memory_space<hbm>>
      %dma_start3A_1011 = tpu.memref_slice %arg7[%dma_start3A_1000] : memref<8x!tpu.dma_semaphore, #tpu.memory_space<semaphore_mem>> -> memref<1x!tpu.dma_semaphore, #tpu.memory_space<semaphore_mem>>
      %dma_start3A_1012 = tpu.memref_squeeze %dma_start3A_1011 : memref<1x!tpu.dma_semaphore, #tpu.memory_space<semaphore_mem>> -> memref<!tpu.dma_semaphore, #tpu.memory_space<semaphore_mem>>
      tpu.enqueue_indirect_dma source(%dma_start3A_1010 : memref<2600000x64xf32, #tpu.memory_space<hbm>>) target(%dma_start3A_1004 : memref<128x64xf32, #tpu.memory_space<vmem>>) offsets(%dma_start3A_1007 : memref<128xi32, #tpu.memory_space<vmem>>) semaphore(%dma_start3A_1012 : memref<!tpu.dma_semaphore, #tpu.memory_space<semaphore_mem>>)
      %add3A_1013 = arith.constant 4 : i32
      %add3A_1014 = arith.addi %mul3A_560, %add3A_1013 : i32
      %mul3A_1015 = arith.constant 128 : i32
      %mul3A_1016 = arith.muli %add3A_1014, %mul3A_1015 : i32
      %add3A_1017 = arith.addi %mul3A_22, %mul3A_1016 : i32
      %dma_wait3A_1018 = arith.constant 4 : i32
      %dma_wait3A_1019 = arith.constant 4 : i32
      %dma_wait3A_1020 = arith.constant 0 : i32
      %dma_wait3A_1021 = arith.constant 0 : i32
      %dma_wait3A_1022 = tpu.memref_slice %arg6[%dma_wait3A_1018, %dma_wait3A_1020, %dma_wait3A_1021] : memref<8x128x64xf32, #tpu.memory_space<vmem>> -> memref<1x128x64xf32, #tpu.memory_space<vmem>>
      %dma_wait3A_1023 = tpu.memref_squeeze %dma_wait3A_1022 : memref<1x128x64xf32, #tpu.memory_space<vmem>> -> memref<128x64xf32, #tpu.memory_space<vmem>>
      %dma_wait3A_1024 = arith.constant 0 : i32
      %dma_wait3A_1025 = tpu.memref_slice %arg4[%add3A_1017, %dma_wait3A_1024] : memref<425984x64xf32, #tpu.memory_space<hbm>> -> memref<128x64xf32, #tpu.memory_space<hbm>>
      %dma_wait3A_1026 = tpu.memref_slice %arg8[%dma_wait3A_1019] : memref<8x!tpu.dma_semaphore, #tpu.memory_space<semaphore_mem>> -> memref<1x!tpu.dma_semaphore, #tpu.memory_space<semaphore_mem>>
      %dma_wait3A_1027 = tpu.memref_squeeze %dma_wait3A_1026 : memref<1x!tpu.dma_semaphore, #tpu.memory_space<semaphore_mem>> -> memref<!tpu.dma_semaphore, #tpu.memory_space<semaphore_mem>>
      %dma_wait3A_1028 = arith.constant 0 : i32
      %dma_wait3A_1029 = tpu.memref_slice %arg4[%add3A_1017, %dma_wait3A_1028] : memref<425984x64xf32, #tpu.memory_space<hbm>> -> memref<128x64xf32, #tpu.memory_space<hbm>>
      %dma_wait3A_1030 = arith.constant 0 : i32
      %dma_wait3A_1031 = arith.constant 0 : i32
      %dma_wait3A_1032 = tpu.memref_slice %arg6[%dma_wait3A_1018, %dma_wait3A_1030, %dma_wait3A_1031] : memref<8x128x64xf32, #tpu.memory_space<vmem>> -> memref<1x128x64xf32, #tpu.memory_space<vmem>>
      %dma_wait3A_1033 = tpu.memref_squeeze %dma_wait3A_1032 : memref<1x128x64xf32, #tpu.memory_space<vmem>> -> memref<128x64xf32, #tpu.memory_space<vmem>>
      tpu.wait_dma2 semaphore(%dma_wait3A_1027 : memref<!tpu.dma_semaphore, #tpu.memory_space<semaphore_mem>>) src(%dma_wait3A_1033 : memref<128x64xf32, #tpu.memory_space<vmem>>) dst(%dma_wait3A_1029 : memref<128x64xf32, #tpu.memory_space<hbm>>)
      %add3A_1034 = arith.constant 8 : i32
      %add3A_1035 = arith.addi %mul3A_560, %add3A_1034 : i32
      %add3A_1036 = arith.constant 4 : i32
      %add3A_1037 = arith.addi %add3A_1035, %add3A_1036 : i32
      %dma_start3A_1038 = arith.constant 4 : i32
      %dma_start3A_1039 = arith.constant 4 : i32
      %dma_start3A_1040 = arith.constant 0 : i32
      %dma_start3A_1041 = arith.constant 0 : i32
      %dma_start3A_1042 = tpu.memref_slice %arg6[%dma_start3A_1038, %dma_start3A_1040, %dma_start3A_1041] : memref<8x128x64xf32, #tpu.memory_space<vmem>> -> memref<1x128x64xf32, #tpu.memory_space<vmem>>
      %dma_start3A_1043 = tpu.memref_squeeze %dma_start3A_1042 : memref<1x128x64xf32, #tpu.memory_space<vmem>> -> memref<128x64xf32, #tpu.memory_space<vmem>>
      %dma_start3A_1044 = arith.constant 0 : i32
      %dma_start3A_1045 = tpu.memref_slice %arg5[%add3A_1037, %dma_start3A_1044] : memref<104x128xi32, #tpu.memory_space<vmem>> -> memref<1x128xi32, #tpu.memory_space<vmem>>
      %dma_start3A_1046 = tpu.memref_squeeze %dma_start3A_1045 : memref<1x128xi32, #tpu.memory_space<vmem>> -> memref<128xi32, #tpu.memory_space<vmem>>
      %dma_start3A_1047 = arith.constant 0 : i32
      %dma_start3A_1048 = arith.constant 0 : i32
      %dma_start3A_1049 = tpu.memref_slice %arg3[%dma_start3A_1047, %dma_start3A_1048] : memref<2600000x64xf32, #tpu.memory_space<hbm>> -> memref<2600000x64xf32, #tpu.memory_space<hbm>>
      %dma_start3A_1050 = tpu.memref_slice %arg7[%dma_start3A_1039] : memref<8x!tpu.dma_semaphore, #tpu.memory_space<semaphore_mem>> -> memref<1x!tpu.dma_semaphore, #tpu.memory_space<semaphore_mem>>
      %dma_start3A_1051 = tpu.memref_squeeze %dma_start3A_1050 : memref<1x!tpu.dma_semaphore, #tpu.memory_space<semaphore_mem>> -> memref<!tpu.dma_semaphore, #tpu.memory_space<semaphore_mem>>
      tpu.enqueue_indirect_dma source(%dma_start3A_1049 : memref<2600000x64xf32, #tpu.memory_space<hbm>>) target(%dma_start3A_1043 : memref<128x64xf32, #tpu.memory_space<vmem>>) offsets(%dma_start3A_1046 : memref<128xi32, #tpu.memory_space<vmem>>) semaphore(%dma_start3A_1051 : memref<!tpu.dma_semaphore, #tpu.memory_space<semaphore_mem>>)
      %add3A_1052 = arith.constant 5 : i32
      %add3A_1053 = arith.addi %mul3A_560, %add3A_1052 : i32
      %mul3A_1054 = arith.constant 128 : i32
      %mul3A_1055 = arith.muli %add3A_1053, %mul3A_1054 : i32
      %add3A_1056 = arith.addi %mul3A_22, %mul3A_1055 : i32
      %dma_wait3A_1057 = arith.constant 5 : i32
      %dma_wait3A_1058 = arith.constant 5 : i32
      %dma_wait3A_1059 = arith.constant 0 : i32
      %dma_wait3A_1060 = arith.constant 0 : i32
      %dma_wait3A_1061 = tpu.memref_slice %arg6[%dma_wait3A_1057, %dma_wait3A_1059, %dma_wait3A_1060] : memref<8x128x64xf32, #tpu.memory_space<vmem>> -> memref<1x128x64xf32, #tpu.memory_space<vmem>>
      %dma_wait3A_1062 = tpu.memref_squeeze %dma_wait3A_1061 : memref<1x128x64xf32, #tpu.memory_space<vmem>> -> memref<128x64xf32, #tpu.memory_space<vmem>>
      %dma_wait3A_1063 = arith.constant 0 : i32
      %dma_wait3A_1064 = tpu.memref_slice %arg4[%add3A_1056, %dma_wait3A_1063] : memref<425984x64xf32, #tpu.memory_space<hbm>> -> memref<128x64xf32, #tpu.memory_space<hbm>>
      %dma_wait3A_1065 = tpu.memref_slice %arg8[%dma_wait3A_1058] : memref<8x!tpu.dma_semaphore, #tpu.memory_space<semaphore_mem>> -> memref<1x!tpu.dma_semaphore, #tpu.memory_space<semaphore_mem>>
      %dma_wait3A_1066 = tpu.memref_squeeze %dma_wait3A_1065 : memref<1x!tpu.dma_semaphore, #tpu.memory_space<semaphore_mem>> -> memref<!tpu.dma_semaphore, #tpu.memory_space<semaphore_mem>>
      %dma_wait3A_1067 = arith.constant 0 : i32
      %dma_wait3A_1068 = tpu.memref_slice %arg4[%add3A_1056, %dma_wait3A_1067] : memref<425984x64xf32, #tpu.memory_space<hbm>> -> memref<128x64xf32, #tpu.memory_space<hbm>>
      %dma_wait3A_1069 = arith.constant 0 : i32
      %dma_wait3A_1070 = arith.constant 0 : i32
      %dma_wait3A_1071 = tpu.memref_slice %arg6[%dma_wait3A_1057, %dma_wait3A_1069, %dma_wait3A_1070] : memref<8x128x64xf32, #tpu.memory_space<vmem>> -> memref<1x128x64xf32, #tpu.memory_space<vmem>>
      %dma_wait3A_1072 = tpu.memref_squeeze %dma_wait3A_1071 : memref<1x128x64xf32, #tpu.memory_space<vmem>> -> memref<128x64xf32, #tpu.memory_space<vmem>>
      tpu.wait_dma2 semaphore(%dma_wait3A_1066 : memref<!tpu.dma_semaphore, #tpu.memory_space<semaphore_mem>>) src(%dma_wait3A_1072 : memref<128x64xf32, #tpu.memory_space<vmem>>) dst(%dma_wait3A_1068 : memref<128x64xf32, #tpu.memory_space<hbm>>)
      %add3A_1073 = arith.constant 8 : i32
      %add3A_1074 = arith.addi %mul3A_560, %add3A_1073 : i32
      %add3A_1075 = arith.constant 5 : i32
      %add3A_1076 = arith.addi %add3A_1074, %add3A_1075 : i32
      %dma_start3A_1077 = arith.constant 5 : i32
      %dma_start3A_1078 = arith.constant 5 : i32
      %dma_start3A_1079 = arith.constant 0 : i32
      %dma_start3A_1080 = arith.constant 0 : i32
      %dma_start3A_1081 = tpu.memref_slice %arg6[%dma_start3A_1077, %dma_start3A_1079, %dma_start3A_1080] : memref<8x128x64xf32, #tpu.memory_space<vmem>> -> memref<1x128x64xf32, #tpu.memory_space<vmem>>
      %dma_start3A_1082 = tpu.memref_squeeze %dma_start3A_1081 : memref<1x128x64xf32, #tpu.memory_space<vmem>> -> memref<128x64xf32, #tpu.memory_space<vmem>>
      %dma_start3A_1083 = arith.constant 0 : i32
      %dma_start3A_1084 = tpu.memref_slice %arg5[%add3A_1076, %dma_start3A_1083] : memref<104x128xi32, #tpu.memory_space<vmem>> -> memref<1x128xi32, #tpu.memory_space<vmem>>
      %dma_start3A_1085 = tpu.memref_squeeze %dma_start3A_1084 : memref<1x128xi32, #tpu.memory_space<vmem>> -> memref<128xi32, #tpu.memory_space<vmem>>
      %dma_start3A_1086 = arith.constant 0 : i32
      %dma_start3A_1087 = arith.constant 0 : i32
      %dma_start3A_1088 = tpu.memref_slice %arg3[%dma_start3A_1086, %dma_start3A_1087] : memref<2600000x64xf32, #tpu.memory_space<hbm>> -> memref<2600000x64xf32, #tpu.memory_space<hbm>>
      %dma_start3A_1089 = tpu.memref_slice %arg7[%dma_start3A_1078] : memref<8x!tpu.dma_semaphore, #tpu.memory_space<semaphore_mem>> -> memref<1x!tpu.dma_semaphore, #tpu.memory_space<semaphore_mem>>
      %dma_start3A_1090 = tpu.memref_squeeze %dma_start3A_1089 : memref<1x!tpu.dma_semaphore, #tpu.memory_space<semaphore_mem>> -> memref<!tpu.dma_semaphore, #tpu.memory_space<semaphore_mem>>
      tpu.enqueue_indirect_dma source(%dma_start3A_1088 : memref<2600000x64xf32, #tpu.memory_space<hbm>>) target(%dma_start3A_1082 : memref<128x64xf32, #tpu.memory_space<vmem>>) offsets(%dma_start3A_1085 : memref<128xi32, #tpu.memory_space<vmem>>) semaphore(%dma_start3A_1090 : memref<!tpu.dma_semaphore, #tpu.memory_space<semaphore_mem>>)
      %add3A_1091 = arith.constant 6 : i32
      %add3A_1092 = arith.addi %mul3A_560, %add3A_1091 : i32
      %mul3A_1093 = arith.constant 128 : i32
      %mul3A_1094 = arith.muli %add3A_1092, %mul3A_1093 : i32
      %add3A_1095 = arith.addi %mul3A_22, %mul3A_1094 : i32
      %dma_wait3A_1096 = arith.constant 6 : i32
      %dma_wait3A_1097 = arith.constant 6 : i32
      %dma_wait3A_1098 = arith.constant 0 : i32
      %dma_wait3A_1099 = arith.constant 0 : i32
      %dma_wait3A_1100 = tpu.memref_slice %arg6[%dma_wait3A_1096, %dma_wait3A_1098, %dma_wait3A_1099] : memref<8x128x64xf32, #tpu.memory_space<vmem>> -> memref<1x128x64xf32, #tpu.memory_space<vmem>>
      %dma_wait3A_1101 = tpu.memref_squeeze %dma_wait3A_1100 : memref<1x128x64xf32, #tpu.memory_space<vmem>> -> memref<128x64xf32, #tpu.memory_space<vmem>>
      %dma_wait3A_1102 = arith.constant 0 : i32
      %dma_wait3A_1103 = tpu.memref_slice %arg4[%add3A_1095, %dma_wait3A_1102] : memref<425984x64xf32, #tpu.memory_space<hbm>> -> memref<128x64xf32, #tpu.memory_space<hbm>>
      %dma_wait3A_1104 = tpu.memref_slice %arg8[%dma_wait3A_1097] : memref<8x!tpu.dma_semaphore, #tpu.memory_space<semaphore_mem>> -> memref<1x!tpu.dma_semaphore, #tpu.memory_space<semaphore_mem>>
      %dma_wait3A_1105 = tpu.memref_squeeze %dma_wait3A_1104 : memref<1x!tpu.dma_semaphore, #tpu.memory_space<semaphore_mem>> -> memref<!tpu.dma_semaphore, #tpu.memory_space<semaphore_mem>>
      %dma_wait3A_1106 = arith.constant 0 : i32
      %dma_wait3A_1107 = tpu.memref_slice %arg4[%add3A_1095, %dma_wait3A_1106] : memref<425984x64xf32, #tpu.memory_space<hbm>> -> memref<128x64xf32, #tpu.memory_space<hbm>>
      %dma_wait3A_1108 = arith.constant 0 : i32
      %dma_wait3A_1109 = arith.constant 0 : i32
      %dma_wait3A_1110 = tpu.memref_slice %arg6[%dma_wait3A_1096, %dma_wait3A_1108, %dma_wait3A_1109] : memref<8x128x64xf32, #tpu.memory_space<vmem>> -> memref<1x128x64xf32, #tpu.memory_space<vmem>>
      %dma_wait3A_1111 = tpu.memref_squeeze %dma_wait3A_1110 : memref<1x128x64xf32, #tpu.memory_space<vmem>> -> memref<128x64xf32, #tpu.memory_space<vmem>>
      tpu.wait_dma2 semaphore(%dma_wait3A_1105 : memref<!tpu.dma_semaphore, #tpu.memory_space<semaphore_mem>>) src(%dma_wait3A_1111 : memref<128x64xf32, #tpu.memory_space<vmem>>) dst(%dma_wait3A_1107 : memref<128x64xf32, #tpu.memory_space<hbm>>)
      %add3A_1112 = arith.constant 8 : i32
      %add3A_1113 = arith.addi %mul3A_560, %add3A_1112 : i32
      %add3A_1114 = arith.constant 6 : i32
      %add3A_1115 = arith.addi %add3A_1113, %add3A_1114 : i32
      %dma_start3A_1116 = arith.constant 6 : i32
      %dma_start3A_1117 = arith.constant 6 : i32
      %dma_start3A_1118 = arith.constant 0 : i32
      %dma_start3A_1119 = arith.constant 0 : i32
      %dma_start3A_1120 = tpu.memref_slice %arg6[%dma_start3A_1116, %dma_start3A_1118, %dma_start3A_1119] : memref<8x128x64xf32, #tpu.memory_space<vmem>> -> memref<1x128x64xf32, #tpu.memory_space<vmem>>
      %dma_start3A_1121 = tpu.memref_squeeze %dma_start3A_1120 : memref<1x128x64xf32, #tpu.memory_space<vmem>> -> memref<128x64xf32, #tpu.memory_space<vmem>>
      %dma_start3A_1122 = arith.constant 0 : i32
      %dma_start3A_1123 = tpu.memref_slice %arg5[%add3A_1115, %dma_start3A_1122] : memref<104x128xi32, #tpu.memory_space<vmem>> -> memref<1x128xi32, #tpu.memory_space<vmem>>
      %dma_start3A_1124 = tpu.memref_squeeze %dma_start3A_1123 : memref<1x128xi32, #tpu.memory_space<vmem>> -> memref<128xi32, #tpu.memory_space<vmem>>
      %dma_start3A_1125 = arith.constant 0 : i32
      %dma_start3A_1126 = arith.constant 0 : i32
      %dma_start3A_1127 = tpu.memref_slice %arg3[%dma_start3A_1125, %dma_start3A_1126] : memref<2600000x64xf32, #tpu.memory_space<hbm>> -> memref<2600000x64xf32, #tpu.memory_space<hbm>>
      %dma_start3A_1128 = tpu.memref_slice %arg7[%dma_start3A_1117] : memref<8x!tpu.dma_semaphore, #tpu.memory_space<semaphore_mem>> -> memref<1x!tpu.dma_semaphore, #tpu.memory_space<semaphore_mem>>
      %dma_start3A_1129 = tpu.memref_squeeze %dma_start3A_1128 : memref<1x!tpu.dma_semaphore, #tpu.memory_space<semaphore_mem>> -> memref<!tpu.dma_semaphore, #tpu.memory_space<semaphore_mem>>
      tpu.enqueue_indirect_dma source(%dma_start3A_1127 : memref<2600000x64xf32, #tpu.memory_space<hbm>>) target(%dma_start3A_1121 : memref<128x64xf32, #tpu.memory_space<vmem>>) offsets(%dma_start3A_1124 : memref<128xi32, #tpu.memory_space<vmem>>) semaphore(%dma_start3A_1129 : memref<!tpu.dma_semaphore, #tpu.memory_space<semaphore_mem>>)
      %add3A_1130 = arith.constant 7 : i32
      %add3A_1131 = arith.addi %mul3A_560, %add3A_1130 : i32
      %mul3A_1132 = arith.constant 128 : i32
      %mul3A_1133 = arith.muli %add3A_1131, %mul3A_1132 : i32
      %add3A_1134 = arith.addi %mul3A_22, %mul3A_1133 : i32
      %dma_wait3A_1135 = arith.constant 7 : i32
      %dma_wait3A_1136 = arith.constant 7 : i32
      %dma_wait3A_1137 = arith.constant 0 : i32
      %dma_wait3A_1138 = arith.constant 0 : i32
      %dma_wait3A_1139 = tpu.memref_slice %arg6[%dma_wait3A_1135, %dma_wait3A_1137, %dma_wait3A_1138] : memref<8x128x64xf32, #tpu.memory_space<vmem>> -> memref<1x128x64xf32, #tpu.memory_space<vmem>>
      %dma_wait3A_1140 = tpu.memref_squeeze %dma_wait3A_1139 : memref<1x128x64xf32, #tpu.memory_space<vmem>> -> memref<128x64xf32, #tpu.memory_space<vmem>>
      %dma_wait3A_1141 = arith.constant 0 : i32
      %dma_wait3A_1142 = tpu.memref_slice %arg4[%add3A_1134, %dma_wait3A_1141] : memref<425984x64xf32, #tpu.memory_space<hbm>> -> memref<128x64xf32, #tpu.memory_space<hbm>>
      %dma_wait3A_1143 = tpu.memref_slice %arg8[%dma_wait3A_1136] : memref<8x!tpu.dma_semaphore, #tpu.memory_space<semaphore_mem>> -> memref<1x!tpu.dma_semaphore, #tpu.memory_space<semaphore_mem>>
      %dma_wait3A_1144 = tpu.memref_squeeze %dma_wait3A_1143 : memref<1x!tpu.dma_semaphore, #tpu.memory_space<semaphore_mem>> -> memref<!tpu.dma_semaphore, #tpu.memory_space<semaphore_mem>>
      %dma_wait3A_1145 = arith.constant 0 : i32
      %dma_wait3A_1146 = tpu.memref_slice %arg4[%add3A_1134, %dma_wait3A_1145] : memref<425984x64xf32, #tpu.memory_space<hbm>> -> memref<128x64xf32, #tpu.memory_space<hbm>>
      %dma_wait3A_1147 = arith.constant 0 : i32
      %dma_wait3A_1148 = arith.constant 0 : i32
      %dma_wait3A_1149 = tpu.memref_slice %arg6[%dma_wait3A_1135, %dma_wait3A_1147, %dma_wait3A_1148] : memref<8x128x64xf32, #tpu.memory_space<vmem>> -> memref<1x128x64xf32, #tpu.memory_space<vmem>>
      %dma_wait3A_1150 = tpu.memref_squeeze %dma_wait3A_1149 : memref<1x128x64xf32, #tpu.memory_space<vmem>> -> memref<128x64xf32, #tpu.memory_space<vmem>>
      tpu.wait_dma2 semaphore(%dma_wait3A_1144 : memref<!tpu.dma_semaphore, #tpu.memory_space<semaphore_mem>>) src(%dma_wait3A_1150 : memref<128x64xf32, #tpu.memory_space<vmem>>) dst(%dma_wait3A_1146 : memref<128x64xf32, #tpu.memory_space<hbm>>)
      %add3A_1151 = arith.constant 8 : i32
      %add3A_1152 = arith.addi %mul3A_560, %add3A_1151 : i32
      %add3A_1153 = arith.constant 7 : i32
      %add3A_1154 = arith.addi %add3A_1152, %add3A_1153 : i32
      %dma_start3A_1155 = arith.constant 7 : i32
      %dma_start3A_1156 = arith.constant 7 : i32
      %dma_start3A_1157 = arith.constant 0 : i32
      %dma_start3A_1158 = arith.constant 0 : i32
      %dma_start3A_1159 = tpu.memref_slice %arg6[%dma_start3A_1155, %dma_start3A_1157, %dma_start3A_1158] : memref<8x128x64xf32, #tpu.memory_space<vmem>> -> memref<1x128x64xf32, #tpu.memory_space<vmem>>
      %dma_start3A_1160 = tpu.memref_squeeze %dma_start3A_1159 : memref<1x128x64xf32, #tpu.memory_space<vmem>> -> memref<128x64xf32, #tpu.memory_space<vmem>>
      %dma_start3A_1161 = arith.constant 0 : i32
      %dma_start3A_1162 = tpu.memref_slice %arg5[%add3A_1154, %dma_start3A_1161] : memref<104x128xi32, #tpu.memory_space<vmem>> -> memref<1x128xi32, #tpu.memory_space<vmem>>
      %dma_start3A_1163 = tpu.memref_squeeze %dma_start3A_1162 : memref<1x128xi32, #tpu.memory_space<vmem>> -> memref<128xi32, #tpu.memory_space<vmem>>
      %dma_start3A_1164 = arith.constant 0 : i32
      %dma_start3A_1165 = arith.constant 0 : i32
      %dma_start3A_1166 = tpu.memref_slice %arg3[%dma_start3A_1164, %dma_start3A_1165] : memref<2600000x64xf32, #tpu.memory_space<hbm>> -> memref<2600000x64xf32, #tpu.memory_space<hbm>>
      %dma_start3A_1167 = tpu.memref_slice %arg7[%dma_start3A_1156] : memref<8x!tpu.dma_semaphore, #tpu.memory_space<semaphore_mem>> -> memref<1x!tpu.dma_semaphore, #tpu.memory_space<semaphore_mem>>
      %dma_start3A_1168 = tpu.memref_squeeze %dma_start3A_1167 : memref<1x!tpu.dma_semaphore, #tpu.memory_space<semaphore_mem>> -> memref<!tpu.dma_semaphore, #tpu.memory_space<semaphore_mem>>
      tpu.enqueue_indirect_dma source(%dma_start3A_1166 : memref<2600000x64xf32, #tpu.memory_space<hbm>>) target(%dma_start3A_1160 : memref<128x64xf32, #tpu.memory_space<vmem>>) offsets(%dma_start3A_1163 : memref<128xi32, #tpu.memory_space<vmem>>) semaphore(%dma_start3A_1168 : memref<!tpu.dma_semaphore, #tpu.memory_space<semaphore_mem>>)
    }
    %scan3A_146 = arith.constant 12 : i32
    %dma_wait3A = arith.constant 96 : i32
    %dma_wait3A_147 = arith.constant 0 : i32
    %dma_wait3A_148 = arith.constant 0 : i32
    %dma_wait3A_149 = arith.constant 0 : i32
    %dma_wait3A_150 = arith.constant 0 : i32
    %dma_wait3A_151 = tpu.memref_slice %arg6[%dma_wait3A_147, %dma_wait3A_149, %dma_wait3A_150] : memref<8x128x64xf32, #tpu.memory_space<vmem>> -> memref<1x128x64xf32, #tpu.memory_space<vmem>>
    %dma_wait3A_152 = tpu.memref_squeeze %dma_wait3A_151 : memref<1x128x64xf32, #tpu.memory_space<vmem>> -> memref<128x64xf32, #tpu.memory_space<vmem>>
    %dma_wait3A_153 = arith.constant 0 : i32
    %dma_wait3A_154 = tpu.memref_slice %arg5[%dma_wait3A, %dma_wait3A_153] : memref<104x128xi32, #tpu.memory_space<vmem>> -> memref<1x128xi32, #tpu.memory_space<vmem>>
    %dma_wait3A_155 = tpu.memref_squeeze %dma_wait3A_154 : memref<1x128xi32, #tpu.memory_space<vmem>> -> memref<128xi32, #tpu.memory_space<vmem>>
    %dma_wait3A_156 = arith.constant 0 : i32
    %dma_wait3A_157 = arith.constant 0 : i32
    %dma_wait3A_158 = tpu.memref_slice %arg3[%dma_wait3A_156, %dma_wait3A_157] : memref<2600000x64xf32, #tpu.memory_space<hbm>> -> memref<2600000x64xf32, #tpu.memory_space<hbm>>
    %dma_wait3A_159 = tpu.memref_slice %arg7[%dma_wait3A_148] : memref<8x!tpu.dma_semaphore, #tpu.memory_space<semaphore_mem>> -> memref<1x!tpu.dma_semaphore, #tpu.memory_space<semaphore_mem>>
    %dma_wait3A_160 = tpu.memref_squeeze %dma_wait3A_159 : memref<1x!tpu.dma_semaphore, #tpu.memory_space<semaphore_mem>> -> memref<!tpu.dma_semaphore, #tpu.memory_space<semaphore_mem>>
    tpu.wait_indirect_dma semaphore(%dma_wait3A_160 : memref<!tpu.dma_semaphore, #tpu.memory_space<semaphore_mem>>) src(%dma_wait3A_158 : memref<2600000x64xf32, #tpu.memory_space<hbm>>) dst(%dma_wait3A_152 : memref<128x64xf32, #tpu.memory_space<vmem>>)
    %add3A_161 = arith.constant 12288 : i32
    %add3A_162 = arith.addi %mul3A_22, %add3A_161 : i32
    %dma_start3A_163 = arith.constant 0 : i32
    %dma_start3A_164 = arith.constant 0 : i32
    %dma_start3A_165 = arith.constant 0 : i32
    %dma_start3A_166 = arith.constant 0 : i32
    %dma_start3A_167 = tpu.memref_slice %arg6[%dma_start3A_163, %dma_start3A_165, %dma_start3A_166] : memref<8x128x64xf32, #tpu.memory_space<vmem>> -> memref<1x128x64xf32, #tpu.memory_space<vmem>>
    %dma_start3A_168 = tpu.memref_squeeze %dma_start3A_167 : memref<1x128x64xf32, #tpu.memory_space<vmem>> -> memref<128x64xf32, #tpu.memory_space<vmem>>
    %dma_start3A_169 = arith.constant 0 : i32
    %dma_start3A_170 = tpu.memref_slice %arg4[%add3A_162, %dma_start3A_169] : memref<425984x64xf32, #tpu.memory_space<hbm>> -> memref<128x64xf32, #tpu.memory_space<hbm>>
    %dma_start3A_171 = tpu.memref_slice %arg8[%dma_start3A_164] : memref<8x!tpu.dma_semaphore, #tpu.memory_space<semaphore_mem>> -> memref<1x!tpu.dma_semaphore, #tpu.memory_space<semaphore_mem>>
    %dma_start3A_172 = tpu.memref_squeeze %dma_start3A_171 : memref<1x!tpu.dma_semaphore, #tpu.memory_space<semaphore_mem>> -> memref<!tpu.dma_semaphore, #tpu.memory_space<semaphore_mem>>
    %dma_start3A_173 = arith.constant 0 : i32
    %dma_start3A_174 = tpu.memref_slice %arg4[%add3A_162, %dma_start3A_173] : memref<425984x64xf32, #tpu.memory_space<hbm>> -> memref<128x64xf32, #tpu.memory_space<hbm>>
    %dma_start3A_175 = arith.constant 0 : i32
    %dma_start3A_176 = arith.constant 0 : i32
    %dma_start3A_177 = tpu.memref_slice %arg6[%dma_start3A_163, %dma_start3A_175, %dma_start3A_176] : memref<8x128x64xf32, #tpu.memory_space<vmem>> -> memref<1x128x64xf32, #tpu.memory_space<vmem>>
    %dma_start3A_178 = tpu.memref_squeeze %dma_start3A_177 : memref<1x128x64xf32, #tpu.memory_space<vmem>> -> memref<128x64xf32, #tpu.memory_space<vmem>>
    tpu.enqueue_dma source(%dma_start3A_178 : memref<128x64xf32, #tpu.memory_space<vmem>>) target(%dma_start3A_174 : memref<128x64xf32, #tpu.memory_space<hbm>>) target_semaphore(%dma_start3A_172 : memref<!tpu.dma_semaphore, #tpu.memory_space<semaphore_mem>>)
    %dma_wait3A_179 = arith.constant 97 : i32
    %dma_wait3A_180 = arith.constant 1 : i32
    %dma_wait3A_181 = arith.constant 1 : i32
    %dma_wait3A_182 = arith.constant 0 : i32
    %dma_wait3A_183 = arith.constant 0 : i32
    %dma_wait3A_184 = tpu.memref_slice %arg6[%dma_wait3A_180, %dma_wait3A_182, %dma_wait3A_183] : memref<8x128x64xf32, #tpu.memory_space<vmem>> -> memref<1x128x64xf32, #tpu.memory_space<vmem>>
    %dma_wait3A_185 = tpu.memref_squeeze %dma_wait3A_184 : memref<1x128x64xf32, #tpu.memory_space<vmem>> -> memref<128x64xf32, #tpu.memory_space<vmem>>
    %dma_wait3A_186 = arith.constant 0 : i32
    %dma_wait3A_187 = tpu.memref_slice %arg5[%dma_wait3A_179, %dma_wait3A_186] : memref<104x128xi32, #tpu.memory_space<vmem>> -> memref<1x128xi32, #tpu.memory_space<vmem>>
    %dma_wait3A_188 = tpu.memref_squeeze %dma_wait3A_187 : memref<1x128xi32, #tpu.memory_space<vmem>> -> memref<128xi32, #tpu.memory_space<vmem>>
    %dma_wait3A_189 = arith.constant 0 : i32
    %dma_wait3A_190 = arith.constant 0 : i32
    %dma_wait3A_191 = tpu.memref_slice %arg3[%dma_wait3A_189, %dma_wait3A_190] : memref<2600000x64xf32, #tpu.memory_space<hbm>> -> memref<2600000x64xf32, #tpu.memory_space<hbm>>
    %dma_wait3A_192 = tpu.memref_slice %arg7[%dma_wait3A_181] : memref<8x!tpu.dma_semaphore, #tpu.memory_space<semaphore_mem>> -> memref<1x!tpu.dma_semaphore, #tpu.memory_space<semaphore_mem>>
    %dma_wait3A_193 = tpu.memref_squeeze %dma_wait3A_192 : memref<1x!tpu.dma_semaphore, #tpu.memory_space<semaphore_mem>> -> memref<!tpu.dma_semaphore, #tpu.memory_space<semaphore_mem>>
    tpu.wait_indirect_dma semaphore(%dma_wait3A_193 : memref<!tpu.dma_semaphore, #tpu.memory_space<semaphore_mem>>) src(%dma_wait3A_191 : memref<2600000x64xf32, #tpu.memory_space<hbm>>) dst(%dma_wait3A_185 : memref<128x64xf32, #tpu.memory_space<vmem>>)
    %add3A_194 = arith.constant 12416 : i32
    %add3A_195 = arith.addi %mul3A_22, %add3A_194 : i32
    %dma_start3A_196 = arith.constant 1 : i32
    %dma_start3A_197 = arith.constant 1 : i32
    %dma_start3A_198 = arith.constant 0 : i32
    %dma_start3A_199 = arith.constant 0 : i32
    %dma_start3A_200 = tpu.memref_slice %arg6[%dma_start3A_196, %dma_start3A_198, %dma_start3A_199] : memref<8x128x64xf32, #tpu.memory_space<vmem>> -> memref<1x128x64xf32, #tpu.memory_space<vmem>>
    %dma_start3A_201 = tpu.memref_squeeze %dma_start3A_200 : memref<1x128x64xf32, #tpu.memory_space<vmem>> -> memref<128x64xf32, #tpu.memory_space<vmem>>
    %dma_start3A_202 = arith.constant 0 : i32
    %dma_start3A_203 = tpu.memref_slice %arg4[%add3A_195, %dma_start3A_202] : memref<425984x64xf32, #tpu.memory_space<hbm>> -> memref<128x64xf32, #tpu.memory_space<hbm>>
    %dma_start3A_204 = tpu.memref_slice %arg8[%dma_start3A_197] : memref<8x!tpu.dma_semaphore, #tpu.memory_space<semaphore_mem>> -> memref<1x!tpu.dma_semaphore, #tpu.memory_space<semaphore_mem>>
    %dma_start3A_205 = tpu.memref_squeeze %dma_start3A_204 : memref<1x!tpu.dma_semaphore, #tpu.memory_space<semaphore_mem>> -> memref<!tpu.dma_semaphore, #tpu.memory_space<semaphore_mem>>
    %dma_start3A_206 = arith.constant 0 : i32
    %dma_start3A_207 = tpu.memref_slice %arg4[%add3A_195, %dma_start3A_206] : memref<425984x64xf32, #tpu.memory_space<hbm>> -> memref<128x64xf32, #tpu.memory_space<hbm>>
    %dma_start3A_208 = arith.constant 0 : i32
    %dma_start3A_209 = arith.constant 0 : i32
    %dma_start3A_210 = tpu.memref_slice %arg6[%dma_start3A_196, %dma_start3A_208, %dma_start3A_209] : memref<8x128x64xf32, #tpu.memory_space<vmem>> -> memref<1x128x64xf32, #tpu.memory_space<vmem>>
    %dma_start3A_211 = tpu.memref_squeeze %dma_start3A_210 : memref<1x128x64xf32, #tpu.memory_space<vmem>> -> memref<128x64xf32, #tpu.memory_space<vmem>>
    tpu.enqueue_dma source(%dma_start3A_211 : memref<128x64xf32, #tpu.memory_space<vmem>>) target(%dma_start3A_207 : memref<128x64xf32, #tpu.memory_space<hbm>>) target_semaphore(%dma_start3A_205 : memref<!tpu.dma_semaphore, #tpu.memory_space<semaphore_mem>>)
    %dma_wait3A_212 = arith.constant 98 : i32
    %dma_wait3A_213 = arith.constant 2 : i32
    %dma_wait3A_214 = arith.constant 2 : i32
    %dma_wait3A_215 = arith.constant 0 : i32
    %dma_wait3A_216 = arith.constant 0 : i32
    %dma_wait3A_217 = tpu.memref_slice %arg6[%dma_wait3A_213, %dma_wait3A_215, %dma_wait3A_216] : memref<8x128x64xf32, #tpu.memory_space<vmem>> -> memref<1x128x64xf32, #tpu.memory_space<vmem>>
    %dma_wait3A_218 = tpu.memref_squeeze %dma_wait3A_217 : memref<1x128x64xf32, #tpu.memory_space<vmem>> -> memref<128x64xf32, #tpu.memory_space<vmem>>
    %dma_wait3A_219 = arith.constant 0 : i32
    %dma_wait3A_220 = tpu.memref_slice %arg5[%dma_wait3A_212, %dma_wait3A_219] : memref<104x128xi32, #tpu.memory_space<vmem>> -> memref<1x128xi32, #tpu.memory_space<vmem>>
    %dma_wait3A_221 = tpu.memref_squeeze %dma_wait3A_220 : memref<1x128xi32, #tpu.memory_space<vmem>> -> memref<128xi32, #tpu.memory_space<vmem>>
    %dma_wait3A_222 = arith.constant 0 : i32
    %dma_wait3A_223 = arith.constant 0 : i32
    %dma_wait3A_224 = tpu.memref_slice %arg3[%dma_wait3A_222, %dma_wait3A_223] : memref<2600000x64xf32, #tpu.memory_space<hbm>> -> memref<2600000x64xf32, #tpu.memory_space<hbm>>
    %dma_wait3A_225 = tpu.memref_slice %arg7[%dma_wait3A_214] : memref<8x!tpu.dma_semaphore, #tpu.memory_space<semaphore_mem>> -> memref<1x!tpu.dma_semaphore, #tpu.memory_space<semaphore_mem>>
    %dma_wait3A_226 = tpu.memref_squeeze %dma_wait3A_225 : memref<1x!tpu.dma_semaphore, #tpu.memory_space<semaphore_mem>> -> memref<!tpu.dma_semaphore, #tpu.memory_space<semaphore_mem>>
    tpu.wait_indirect_dma semaphore(%dma_wait3A_226 : memref<!tpu.dma_semaphore, #tpu.memory_space<semaphore_mem>>) src(%dma_wait3A_224 : memref<2600000x64xf32, #tpu.memory_space<hbm>>) dst(%dma_wait3A_218 : memref<128x64xf32, #tpu.memory_space<vmem>>)
    %add3A_227 = arith.constant 12544 : i32
    %add3A_228 = arith.addi %mul3A_22, %add3A_227 : i32
    %dma_start3A_229 = arith.constant 2 : i32
    %dma_start3A_230 = arith.constant 2 : i32
    %dma_start3A_231 = arith.constant 0 : i32
    %dma_start3A_232 = arith.constant 0 : i32
    %dma_start3A_233 = tpu.memref_slice %arg6[%dma_start3A_229, %dma_start3A_231, %dma_start3A_232] : memref<8x128x64xf32, #tpu.memory_space<vmem>> -> memref<1x128x64xf32, #tpu.memory_space<vmem>>
    %dma_start3A_234 = tpu.memref_squeeze %dma_start3A_233 : memref<1x128x64xf32, #tpu.memory_space<vmem>> -> memref<128x64xf32, #tpu.memory_space<vmem>>
    %dma_start3A_235 = arith.constant 0 : i32
    %dma_start3A_236 = tpu.memref_slice %arg4[%add3A_228, %dma_start3A_235] : memref<425984x64xf32, #tpu.memory_space<hbm>> -> memref<128x64xf32, #tpu.memory_space<hbm>>
    %dma_start3A_237 = tpu.memref_slice %arg8[%dma_start3A_230] : memref<8x!tpu.dma_semaphore, #tpu.memory_space<semaphore_mem>> -> memref<1x!tpu.dma_semaphore, #tpu.memory_space<semaphore_mem>>
    %dma_start3A_238 = tpu.memref_squeeze %dma_start3A_237 : memref<1x!tpu.dma_semaphore, #tpu.memory_space<semaphore_mem>> -> memref<!tpu.dma_semaphore, #tpu.memory_space<semaphore_mem>>
    %dma_start3A_239 = arith.constant 0 : i32
    %dma_start3A_240 = tpu.memref_slice %arg4[%add3A_228, %dma_start3A_239] : memref<425984x64xf32, #tpu.memory_space<hbm>> -> memref<128x64xf32, #tpu.memory_space<hbm>>
    %dma_start3A_241 = arith.constant 0 : i32
    %dma_start3A_242 = arith.constant 0 : i32
    %dma_start3A_243 = tpu.memref_slice %arg6[%dma_start3A_229, %dma_start3A_241, %dma_start3A_242] : memref<8x128x64xf32, #tpu.memory_space<vmem>> -> memref<1x128x64xf32, #tpu.memory_space<vmem>>
    %dma_start3A_244 = tpu.memref_squeeze %dma_start3A_243 : memref<1x128x64xf32, #tpu.memory_space<vmem>> -> memref<128x64xf32, #tpu.memory_space<vmem>>
    tpu.enqueue_dma source(%dma_start3A_244 : memref<128x64xf32, #tpu.memory_space<vmem>>) target(%dma_start3A_240 : memref<128x64xf32, #tpu.memory_space<hbm>>) target_semaphore(%dma_start3A_238 : memref<!tpu.dma_semaphore, #tpu.memory_space<semaphore_mem>>)
    %dma_wait3A_245 = arith.constant 99 : i32
    %dma_wait3A_246 = arith.constant 3 : i32
    %dma_wait3A_247 = arith.constant 3 : i32
    %dma_wait3A_248 = arith.constant 0 : i32
    %dma_wait3A_249 = arith.constant 0 : i32
    %dma_wait3A_250 = tpu.memref_slice %arg6[%dma_wait3A_246, %dma_wait3A_248, %dma_wait3A_249] : memref<8x128x64xf32, #tpu.memory_space<vmem>> -> memref<1x128x64xf32, #tpu.memory_space<vmem>>
    %dma_wait3A_251 = tpu.memref_squeeze %dma_wait3A_250 : memref<1x128x64xf32, #tpu.memory_space<vmem>> -> memref<128x64xf32, #tpu.memory_space<vmem>>
    %dma_wait3A_252 = arith.constant 0 : i32
    %dma_wait3A_253 = tpu.memref_slice %arg5[%dma_wait3A_245, %dma_wait3A_252] : memref<104x128xi32, #tpu.memory_space<vmem>> -> memref<1x128xi32, #tpu.memory_space<vmem>>
    %dma_wait3A_254 = tpu.memref_squeeze %dma_wait3A_253 : memref<1x128xi32, #tpu.memory_space<vmem>> -> memref<128xi32, #tpu.memory_space<vmem>>
    %dma_wait3A_255 = arith.constant 0 : i32
    %dma_wait3A_256 = arith.constant 0 : i32
    %dma_wait3A_257 = tpu.memref_slice %arg3[%dma_wait3A_255, %dma_wait3A_256] : memref<2600000x64xf32, #tpu.memory_space<hbm>> -> memref<2600000x64xf32, #tpu.memory_space<hbm>>
    %dma_wait3A_258 = tpu.memref_slice %arg7[%dma_wait3A_247] : memref<8x!tpu.dma_semaphore, #tpu.memory_space<semaphore_mem>> -> memref<1x!tpu.dma_semaphore, #tpu.memory_space<semaphore_mem>>
    %dma_wait3A_259 = tpu.memref_squeeze %dma_wait3A_258 : memref<1x!tpu.dma_semaphore, #tpu.memory_space<semaphore_mem>> -> memref<!tpu.dma_semaphore, #tpu.memory_space<semaphore_mem>>
    tpu.wait_indirect_dma semaphore(%dma_wait3A_259 : memref<!tpu.dma_semaphore, #tpu.memory_space<semaphore_mem>>) src(%dma_wait3A_257 : memref<2600000x64xf32, #tpu.memory_space<hbm>>) dst(%dma_wait3A_251 : memref<128x64xf32, #tpu.memory_space<vmem>>)
    %add3A_260 = arith.constant 12672 : i32
    %add3A_261 = arith.addi %mul3A_22, %add3A_260 : i32
    %dma_start3A_262 = arith.constant 3 : i32
    %dma_start3A_263 = arith.constant 3 : i32
    %dma_start3A_264 = arith.constant 0 : i32
    %dma_start3A_265 = arith.constant 0 : i32
    %dma_start3A_266 = tpu.memref_slice %arg6[%dma_start3A_262, %dma_start3A_264, %dma_start3A_265] : memref<8x128x64xf32, #tpu.memory_space<vmem>> -> memref<1x128x64xf32, #tpu.memory_space<vmem>>
    %dma_start3A_267 = tpu.memref_squeeze %dma_start3A_266 : memref<1x128x64xf32, #tpu.memory_space<vmem>> -> memref<128x64xf32, #tpu.memory_space<vmem>>
    %dma_start3A_268 = arith.constant 0 : i32
    %dma_start3A_269 = tpu.memref_slice %arg4[%add3A_261, %dma_start3A_268] : memref<425984x64xf32, #tpu.memory_space<hbm>> -> memref<128x64xf32, #tpu.memory_space<hbm>>
    %dma_start3A_270 = tpu.memref_slice %arg8[%dma_start3A_263] : memref<8x!tpu.dma_semaphore, #tpu.memory_space<semaphore_mem>> -> memref<1x!tpu.dma_semaphore, #tpu.memory_space<semaphore_mem>>
    %dma_start3A_271 = tpu.memref_squeeze %dma_start3A_270 : memref<1x!tpu.dma_semaphore, #tpu.memory_space<semaphore_mem>> -> memref<!tpu.dma_semaphore, #tpu.memory_space<semaphore_mem>>
    %dma_start3A_272 = arith.constant 0 : i32
    %dma_start3A_273 = tpu.memref_slice %arg4[%add3A_261, %dma_start3A_272] : memref<425984x64xf32, #tpu.memory_space<hbm>> -> memref<128x64xf32, #tpu.memory_space<hbm>>
    %dma_start3A_274 = arith.constant 0 : i32
    %dma_start3A_275 = arith.constant 0 : i32
    %dma_start3A_276 = tpu.memref_slice %arg6[%dma_start3A_262, %dma_start3A_274, %dma_start3A_275] : memref<8x128x64xf32, #tpu.memory_space<vmem>> -> memref<1x128x64xf32, #tpu.memory_space<vmem>>
    %dma_start3A_277 = tpu.memref_squeeze %dma_start3A_276 : memref<1x128x64xf32, #tpu.memory_space<vmem>> -> memref<128x64xf32, #tpu.memory_space<vmem>>
    tpu.enqueue_dma source(%dma_start3A_277 : memref<128x64xf32, #tpu.memory_space<vmem>>) target(%dma_start3A_273 : memref<128x64xf32, #tpu.memory_space<hbm>>) target_semaphore(%dma_start3A_271 : memref<!tpu.dma_semaphore, #tpu.memory_space<semaphore_mem>>)
    %dma_wait3A_278 = arith.constant 100 : i32
    %dma_wait3A_279 = arith.constant 4 : i32
    %dma_wait3A_280 = arith.constant 4 : i32
    %dma_wait3A_281 = arith.constant 0 : i32
    %dma_wait3A_282 = arith.constant 0 : i32
    %dma_wait3A_283 = tpu.memref_slice %arg6[%dma_wait3A_279, %dma_wait3A_281, %dma_wait3A_282] : memref<8x128x64xf32, #tpu.memory_space<vmem>> -> memref<1x128x64xf32, #tpu.memory_space<vmem>>
    %dma_wait3A_284 = tpu.memref_squeeze %dma_wait3A_283 : memref<1x128x64xf32, #tpu.memory_space<vmem>> -> memref<128x64xf32, #tpu.memory_space<vmem>>
    %dma_wait3A_285 = arith.constant 0 : i32
    %dma_wait3A_286 = tpu.memref_slice %arg5[%dma_wait3A_278, %dma_wait3A_285] : memref<104x128xi32, #tpu.memory_space<vmem>> -> memref<1x128xi32, #tpu.memory_space<vmem>>
    %dma_wait3A_287 = tpu.memref_squeeze %dma_wait3A_286 : memref<1x128xi32, #tpu.memory_space<vmem>> -> memref<128xi32, #tpu.memory_space<vmem>>
    %dma_wait3A_288 = arith.constant 0 : i32
    %dma_wait3A_289 = arith.constant 0 : i32
    %dma_wait3A_290 = tpu.memref_slice %arg3[%dma_wait3A_288, %dma_wait3A_289] : memref<2600000x64xf32, #tpu.memory_space<hbm>> -> memref<2600000x64xf32, #tpu.memory_space<hbm>>
    %dma_wait3A_291 = tpu.memref_slice %arg7[%dma_wait3A_280] : memref<8x!tpu.dma_semaphore, #tpu.memory_space<semaphore_mem>> -> memref<1x!tpu.dma_semaphore, #tpu.memory_space<semaphore_mem>>
    %dma_wait3A_292 = tpu.memref_squeeze %dma_wait3A_291 : memref<1x!tpu.dma_semaphore, #tpu.memory_space<semaphore_mem>> -> memref<!tpu.dma_semaphore, #tpu.memory_space<semaphore_mem>>
    tpu.wait_indirect_dma semaphore(%dma_wait3A_292 : memref<!tpu.dma_semaphore, #tpu.memory_space<semaphore_mem>>) src(%dma_wait3A_290 : memref<2600000x64xf32, #tpu.memory_space<hbm>>) dst(%dma_wait3A_284 : memref<128x64xf32, #tpu.memory_space<vmem>>)
    %add3A_293 = arith.constant 12800 : i32
    %add3A_294 = arith.addi %mul3A_22, %add3A_293 : i32
    %dma_start3A_295 = arith.constant 4 : i32
    %dma_start3A_296 = arith.constant 4 : i32
    %dma_start3A_297 = arith.constant 0 : i32
    %dma_start3A_298 = arith.constant 0 : i32
    %dma_start3A_299 = tpu.memref_slice %arg6[%dma_start3A_295, %dma_start3A_297, %dma_start3A_298] : memref<8x128x64xf32, #tpu.memory_space<vmem>> -> memref<1x128x64xf32, #tpu.memory_space<vmem>>
    %dma_start3A_300 = tpu.memref_squeeze %dma_start3A_299 : memref<1x128x64xf32, #tpu.memory_space<vmem>> -> memref<128x64xf32, #tpu.memory_space<vmem>>
    %dma_start3A_301 = arith.constant 0 : i32
    %dma_start3A_302 = tpu.memref_slice %arg4[%add3A_294, %dma_start3A_301] : memref<425984x64xf32, #tpu.memory_space<hbm>> -> memref<128x64xf32, #tpu.memory_space<hbm>>
    %dma_start3A_303 = tpu.memref_slice %arg8[%dma_start3A_296] : memref<8x!tpu.dma_semaphore, #tpu.memory_space<semaphore_mem>> -> memref<1x!tpu.dma_semaphore, #tpu.memory_space<semaphore_mem>>
    %dma_start3A_304 = tpu.memref_squeeze %dma_start3A_303 : memref<1x!tpu.dma_semaphore, #tpu.memory_space<semaphore_mem>> -> memref<!tpu.dma_semaphore, #tpu.memory_space<semaphore_mem>>
    %dma_start3A_305 = arith.constant 0 : i32
    %dma_start3A_306 = tpu.memref_slice %arg4[%add3A_294, %dma_start3A_305] : memref<425984x64xf32, #tpu.memory_space<hbm>> -> memref<128x64xf32, #tpu.memory_space<hbm>>
    %dma_start3A_307 = arith.constant 0 : i32
    %dma_start3A_308 = arith.constant 0 : i32
    %dma_start3A_309 = tpu.memref_slice %arg6[%dma_start3A_295, %dma_start3A_307, %dma_start3A_308] : memref<8x128x64xf32, #tpu.memory_space<vmem>> -> memref<1x128x64xf32, #tpu.memory_space<vmem>>
    %dma_start3A_310 = tpu.memref_squeeze %dma_start3A_309 : memref<1x128x64xf32, #tpu.memory_space<vmem>> -> memref<128x64xf32, #tpu.memory_space<vmem>>
    tpu.enqueue_dma source(%dma_start3A_310 : memref<128x64xf32, #tpu.memory_space<vmem>>) target(%dma_start3A_306 : memref<128x64xf32, #tpu.memory_space<hbm>>) target_semaphore(%dma_start3A_304 : memref<!tpu.dma_semaphore, #tpu.memory_space<semaphore_mem>>)
    %dma_wait3A_311 = arith.constant 101 : i32
    %dma_wait3A_312 = arith.constant 5 : i32
    %dma_wait3A_313 = arith.constant 5 : i32
    %dma_wait3A_314 = arith.constant 0 : i32
    %dma_wait3A_315 = arith.constant 0 : i32
    %dma_wait3A_316 = tpu.memref_slice %arg6[%dma_wait3A_312, %dma_wait3A_314, %dma_wait3A_315] : memref<8x128x64xf32, #tpu.memory_space<vmem>> -> memref<1x128x64xf32, #tpu.memory_space<vmem>>
    %dma_wait3A_317 = tpu.memref_squeeze %dma_wait3A_316 : memref<1x128x64xf32, #tpu.memory_space<vmem>> -> memref<128x64xf32, #tpu.memory_space<vmem>>
    %dma_wait3A_318 = arith.constant 0 : i32
    %dma_wait3A_319 = tpu.memref_slice %arg5[%dma_wait3A_311, %dma_wait3A_318] : memref<104x128xi32, #tpu.memory_space<vmem>> -> memref<1x128xi32, #tpu.memory_space<vmem>>
    %dma_wait3A_320 = tpu.memref_squeeze %dma_wait3A_319 : memref<1x128xi32, #tpu.memory_space<vmem>> -> memref<128xi32, #tpu.memory_space<vmem>>
    %dma_wait3A_321 = arith.constant 0 : i32
    %dma_wait3A_322 = arith.constant 0 : i32
    %dma_wait3A_323 = tpu.memref_slice %arg3[%dma_wait3A_321, %dma_wait3A_322] : memref<2600000x64xf32, #tpu.memory_space<hbm>> -> memref<2600000x64xf32, #tpu.memory_space<hbm>>
    %dma_wait3A_324 = tpu.memref_slice %arg7[%dma_wait3A_313] : memref<8x!tpu.dma_semaphore, #tpu.memory_space<semaphore_mem>> -> memref<1x!tpu.dma_semaphore, #tpu.memory_space<semaphore_mem>>
    %dma_wait3A_325 = tpu.memref_squeeze %dma_wait3A_324 : memref<1x!tpu.dma_semaphore, #tpu.memory_space<semaphore_mem>> -> memref<!tpu.dma_semaphore, #tpu.memory_space<semaphore_mem>>
    tpu.wait_indirect_dma semaphore(%dma_wait3A_325 : memref<!tpu.dma_semaphore, #tpu.memory_space<semaphore_mem>>) src(%dma_wait3A_323 : memref<2600000x64xf32, #tpu.memory_space<hbm>>) dst(%dma_wait3A_317 : memref<128x64xf32, #tpu.memory_space<vmem>>)
    %add3A_326 = arith.constant 12928 : i32
    %add3A_327 = arith.addi %mul3A_22, %add3A_326 : i32
    %dma_start3A_328 = arith.constant 5 : i32
    %dma_start3A_329 = arith.constant 5 : i32
    %dma_start3A_330 = arith.constant 0 : i32
    %dma_start3A_331 = arith.constant 0 : i32
    %dma_start3A_332 = tpu.memref_slice %arg6[%dma_start3A_328, %dma_start3A_330, %dma_start3A_331] : memref<8x128x64xf32, #tpu.memory_space<vmem>> -> memref<1x128x64xf32, #tpu.memory_space<vmem>>
    %dma_start3A_333 = tpu.memref_squeeze %dma_start3A_332 : memref<1x128x64xf32, #tpu.memory_space<vmem>> -> memref<128x64xf32, #tpu.memory_space<vmem>>
    %dma_start3A_334 = arith.constant 0 : i32
    %dma_start3A_335 = tpu.memref_slice %arg4[%add3A_327, %dma_start3A_334] : memref<425984x64xf32, #tpu.memory_space<hbm>> -> memref<128x64xf32, #tpu.memory_space<hbm>>
    %dma_start3A_336 = tpu.memref_slice %arg8[%dma_start3A_329] : memref<8x!tpu.dma_semaphore, #tpu.memory_space<semaphore_mem>> -> memref<1x!tpu.dma_semaphore, #tpu.memory_space<semaphore_mem>>
    %dma_start3A_337 = tpu.memref_squeeze %dma_start3A_336 : memref<1x!tpu.dma_semaphore, #tpu.memory_space<semaphore_mem>> -> memref<!tpu.dma_semaphore, #tpu.memory_space<semaphore_mem>>
    %dma_start3A_338 = arith.constant 0 : i32
    %dma_start3A_339 = tpu.memref_slice %arg4[%add3A_327, %dma_start3A_338] : memref<425984x64xf32, #tpu.memory_space<hbm>> -> memref<128x64xf32, #tpu.memory_space<hbm>>
    %dma_start3A_340 = arith.constant 0 : i32
    %dma_start3A_341 = arith.constant 0 : i32
    %dma_start3A_342 = tpu.memref_slice %arg6[%dma_start3A_328, %dma_start3A_340, %dma_start3A_341] : memref<8x128x64xf32, #tpu.memory_space<vmem>> -> memref<1x128x64xf32, #tpu.memory_space<vmem>>
    %dma_start3A_343 = tpu.memref_squeeze %dma_start3A_342 : memref<1x128x64xf32, #tpu.memory_space<vmem>> -> memref<128x64xf32, #tpu.memory_space<vmem>>
    tpu.enqueue_dma source(%dma_start3A_343 : memref<128x64xf32, #tpu.memory_space<vmem>>) target(%dma_start3A_339 : memref<128x64xf32, #tpu.memory_space<hbm>>) target_semaphore(%dma_start3A_337 : memref<!tpu.dma_semaphore, #tpu.memory_space<semaphore_mem>>)
    %dma_wait3A_344 = arith.constant 102 : i32
    %dma_wait3A_345 = arith.constant 6 : i32
    %dma_wait3A_346 = arith.constant 6 : i32
    %dma_wait3A_347 = arith.constant 0 : i32
    %dma_wait3A_348 = arith.constant 0 : i32
    %dma_wait3A_349 = tpu.memref_slice %arg6[%dma_wait3A_345, %dma_wait3A_347, %dma_wait3A_348] : memref<8x128x64xf32, #tpu.memory_space<vmem>> -> memref<1x128x64xf32, #tpu.memory_space<vmem>>
    %dma_wait3A_350 = tpu.memref_squeeze %dma_wait3A_349 : memref<1x128x64xf32, #tpu.memory_space<vmem>> -> memref<128x64xf32, #tpu.memory_space<vmem>>
    %dma_wait3A_351 = arith.constant 0 : i32
    %dma_wait3A_352 = tpu.memref_slice %arg5[%dma_wait3A_344, %dma_wait3A_351] : memref<104x128xi32, #tpu.memory_space<vmem>> -> memref<1x128xi32, #tpu.memory_space<vmem>>
    %dma_wait3A_353 = tpu.memref_squeeze %dma_wait3A_352 : memref<1x128xi32, #tpu.memory_space<vmem>> -> memref<128xi32, #tpu.memory_space<vmem>>
    %dma_wait3A_354 = arith.constant 0 : i32
    %dma_wait3A_355 = arith.constant 0 : i32
    %dma_wait3A_356 = tpu.memref_slice %arg3[%dma_wait3A_354, %dma_wait3A_355] : memref<2600000x64xf32, #tpu.memory_space<hbm>> -> memref<2600000x64xf32, #tpu.memory_space<hbm>>
    %dma_wait3A_357 = tpu.memref_slice %arg7[%dma_wait3A_346] : memref<8x!tpu.dma_semaphore, #tpu.memory_space<semaphore_mem>> -> memref<1x!tpu.dma_semaphore, #tpu.memory_space<semaphore_mem>>
    %dma_wait3A_358 = tpu.memref_squeeze %dma_wait3A_357 : memref<1x!tpu.dma_semaphore, #tpu.memory_space<semaphore_mem>> -> memref<!tpu.dma_semaphore, #tpu.memory_space<semaphore_mem>>
    tpu.wait_indirect_dma semaphore(%dma_wait3A_358 : memref<!tpu.dma_semaphore, #tpu.memory_space<semaphore_mem>>) src(%dma_wait3A_356 : memref<2600000x64xf32, #tpu.memory_space<hbm>>) dst(%dma_wait3A_350 : memref<128x64xf32, #tpu.memory_space<vmem>>)
    %add3A_359 = arith.constant 13056 : i32
    %add3A_360 = arith.addi %mul3A_22, %add3A_359 : i32
    %dma_start3A_361 = arith.constant 6 : i32
    %dma_start3A_362 = arith.constant 6 : i32
    %dma_start3A_363 = arith.constant 0 : i32
    %dma_start3A_364 = arith.constant 0 : i32
    %dma_start3A_365 = tpu.memref_slice %arg6[%dma_start3A_361, %dma_start3A_363, %dma_start3A_364] : memref<8x128x64xf32, #tpu.memory_space<vmem>> -> memref<1x128x64xf32, #tpu.memory_space<vmem>>
    %dma_start3A_366 = tpu.memref_squeeze %dma_start3A_365 : memref<1x128x64xf32, #tpu.memory_space<vmem>> -> memref<128x64xf32, #tpu.memory_space<vmem>>
    %dma_start3A_367 = arith.constant 0 : i32
    %dma_start3A_368 = tpu.memref_slice %arg4[%add3A_360, %dma_start3A_367] : memref<425984x64xf32, #tpu.memory_space<hbm>> -> memref<128x64xf32, #tpu.memory_space<hbm>>
    %dma_start3A_369 = tpu.memref_slice %arg8[%dma_start3A_362] : memref<8x!tpu.dma_semaphore, #tpu.memory_space<semaphore_mem>> -> memref<1x!tpu.dma_semaphore, #tpu.memory_space<semaphore_mem>>
    %dma_start3A_370 = tpu.memref_squeeze %dma_start3A_369 : memref<1x!tpu.dma_semaphore, #tpu.memory_space<semaphore_mem>> -> memref<!tpu.dma_semaphore, #tpu.memory_space<semaphore_mem>>
    %dma_start3A_371 = arith.constant 0 : i32
    %dma_start3A_372 = tpu.memref_slice %arg4[%add3A_360, %dma_start3A_371] : memref<425984x64xf32, #tpu.memory_space<hbm>> -> memref<128x64xf32, #tpu.memory_space<hbm>>
    %dma_start3A_373 = arith.constant 0 : i32
    %dma_start3A_374 = arith.constant 0 : i32
    %dma_start3A_375 = tpu.memref_slice %arg6[%dma_start3A_361, %dma_start3A_373, %dma_start3A_374] : memref<8x128x64xf32, #tpu.memory_space<vmem>> -> memref<1x128x64xf32, #tpu.memory_space<vmem>>
    %dma_start3A_376 = tpu.memref_squeeze %dma_start3A_375 : memref<1x128x64xf32, #tpu.memory_space<vmem>> -> memref<128x64xf32, #tpu.memory_space<vmem>>
    tpu.enqueue_dma source(%dma_start3A_376 : memref<128x64xf32, #tpu.memory_space<vmem>>) target(%dma_start3A_372 : memref<128x64xf32, #tpu.memory_space<hbm>>) target_semaphore(%dma_start3A_370 : memref<!tpu.dma_semaphore, #tpu.memory_space<semaphore_mem>>)
    %dma_wait3A_377 = arith.constant 103 : i32
    %dma_wait3A_378 = arith.constant 7 : i32
    %dma_wait3A_379 = arith.constant 7 : i32
    %dma_wait3A_380 = arith.constant 0 : i32
    %dma_wait3A_381 = arith.constant 0 : i32
    %dma_wait3A_382 = tpu.memref_slice %arg6[%dma_wait3A_378, %dma_wait3A_380, %dma_wait3A_381] : memref<8x128x64xf32, #tpu.memory_space<vmem>> -> memref<1x128x64xf32, #tpu.memory_space<vmem>>
    %dma_wait3A_383 = tpu.memref_squeeze %dma_wait3A_382 : memref<1x128x64xf32, #tpu.memory_space<vmem>> -> memref<128x64xf32, #tpu.memory_space<vmem>>
    %dma_wait3A_384 = arith.constant 0 : i32
    %dma_wait3A_385 = tpu.memref_slice %arg5[%dma_wait3A_377, %dma_wait3A_384] : memref<104x128xi32, #tpu.memory_space<vmem>> -> memref<1x128xi32, #tpu.memory_space<vmem>>
    %dma_wait3A_386 = tpu.memref_squeeze %dma_wait3A_385 : memref<1x128xi32, #tpu.memory_space<vmem>> -> memref<128xi32, #tpu.memory_space<vmem>>
    %dma_wait3A_387 = arith.constant 0 : i32
    %dma_wait3A_388 = arith.constant 0 : i32
    %dma_wait3A_389 = tpu.memref_slice %arg3[%dma_wait3A_387, %dma_wait3A_388] : memref<2600000x64xf32, #tpu.memory_space<hbm>> -> memref<2600000x64xf32, #tpu.memory_space<hbm>>
    %dma_wait3A_390 = tpu.memref_slice %arg7[%dma_wait3A_379] : memref<8x!tpu.dma_semaphore, #tpu.memory_space<semaphore_mem>> -> memref<1x!tpu.dma_semaphore, #tpu.memory_space<semaphore_mem>>
    %dma_wait3A_391 = tpu.memref_squeeze %dma_wait3A_390 : memref<1x!tpu.dma_semaphore, #tpu.memory_space<semaphore_mem>> -> memref<!tpu.dma_semaphore, #tpu.memory_space<semaphore_mem>>
    tpu.wait_indirect_dma semaphore(%dma_wait3A_391 : memref<!tpu.dma_semaphore, #tpu.memory_space<semaphore_mem>>) src(%dma_wait3A_389 : memref<2600000x64xf32, #tpu.memory_space<hbm>>) dst(%dma_wait3A_383 : memref<128x64xf32, #tpu.memory_space<vmem>>)
    %add3A_392 = arith.constant 13184 : i32
    %add3A_393 = arith.addi %mul3A_22, %add3A_392 : i32
    %dma_start3A_394 = arith.constant 7 : i32
    %dma_start3A_395 = arith.constant 7 : i32
    %dma_start3A_396 = arith.constant 0 : i32
    %dma_start3A_397 = arith.constant 0 : i32
    %dma_start3A_398 = tpu.memref_slice %arg6[%dma_start3A_394, %dma_start3A_396, %dma_start3A_397] : memref<8x128x64xf32, #tpu.memory_space<vmem>> -> memref<1x128x64xf32, #tpu.memory_space<vmem>>
    %dma_start3A_399 = tpu.memref_squeeze %dma_start3A_398 : memref<1x128x64xf32, #tpu.memory_space<vmem>> -> memref<128x64xf32, #tpu.memory_space<vmem>>
    %dma_start3A_400 = arith.constant 0 : i32
    %dma_start3A_401 = tpu.memref_slice %arg4[%add3A_393, %dma_start3A_400] : memref<425984x64xf32, #tpu.memory_space<hbm>> -> memref<128x64xf32, #tpu.memory_space<hbm>>
    %dma_start3A_402 = tpu.memref_slice %arg8[%dma_start3A_395] : memref<8x!tpu.dma_semaphore, #tpu.memory_space<semaphore_mem>> -> memref<1x!tpu.dma_semaphore, #tpu.memory_space<semaphore_mem>>
    %dma_start3A_403 = tpu.memref_squeeze %dma_start3A_402 : memref<1x!tpu.dma_semaphore, #tpu.memory_space<semaphore_mem>> -> memref<!tpu.dma_semaphore, #tpu.memory_space<semaphore_mem>>
    %dma_start3A_404 = arith.constant 0 : i32
    %dma_start3A_405 = tpu.memref_slice %arg4[%add3A_393, %dma_start3A_404] : memref<425984x64xf32, #tpu.memory_space<hbm>> -> memref<128x64xf32, #tpu.memory_space<hbm>>
    %dma_start3A_406 = arith.constant 0 : i32
    %dma_start3A_407 = arith.constant 0 : i32
    %dma_start3A_408 = tpu.memref_slice %arg6[%dma_start3A_394, %dma_start3A_406, %dma_start3A_407] : memref<8x128x64xf32, #tpu.memory_space<vmem>> -> memref<1x128x64xf32, #tpu.memory_space<vmem>>
    %dma_start3A_409 = tpu.memref_squeeze %dma_start3A_408 : memref<1x128x64xf32, #tpu.memory_space<vmem>> -> memref<128x64xf32, #tpu.memory_space<vmem>>
    tpu.enqueue_dma source(%dma_start3A_409 : memref<128x64xf32, #tpu.memory_space<vmem>>) target(%dma_start3A_405 : memref<128x64xf32, #tpu.memory_space<hbm>>) target_semaphore(%dma_start3A_403 : memref<!tpu.dma_semaphore, #tpu.memory_space<semaphore_mem>>)
    %add3A_410 = arith.constant 12288 : i32
    %add3A_411 = arith.addi %mul3A_22, %add3A_410 : i32
    %dma_wait3A_412 = arith.constant 0 : i32
    %dma_wait3A_413 = arith.constant 0 : i32
    %dma_wait3A_414 = arith.constant 0 : i32
    %dma_wait3A_415 = arith.constant 0 : i32
    %dma_wait3A_416 = tpu.memref_slice %arg6[%dma_wait3A_412, %dma_wait3A_414, %dma_wait3A_415] : memref<8x128x64xf32, #tpu.memory_space<vmem>> -> memref<1x128x64xf32, #tpu.memory_space<vmem>>
    %dma_wait3A_417 = tpu.memref_squeeze %dma_wait3A_416 : memref<1x128x64xf32, #tpu.memory_space<vmem>> -> memref<128x64xf32, #tpu.memory_space<vmem>>
    %dma_wait3A_418 = arith.constant 0 : i32
    %dma_wait3A_419 = tpu.memref_slice %arg4[%add3A_411, %dma_wait3A_418] : memref<425984x64xf32, #tpu.memory_space<hbm>> -> memref<128x64xf32, #tpu.memory_space<hbm>>
    %dma_wait3A_420 = tpu.memref_slice %arg8[%dma_wait3A_413] : memref<8x!tpu.dma_semaphore, #tpu.memory_space<semaphore_mem>> -> memref<1x!tpu.dma_semaphore, #tpu.memory_space<semaphore_mem>>
    %dma_wait3A_421 = tpu.memref_squeeze %dma_wait3A_420 : memref<1x!tpu.dma_semaphore, #tpu.memory_space<semaphore_mem>> -> memref<!tpu.dma_semaphore, #tpu.memory_space<semaphore_mem>>
    %dma_wait3A_422 = arith.constant 0 : i32
    %dma_wait3A_423 = tpu.memref_slice %arg4[%add3A_411, %dma_wait3A_422] : memref<425984x64xf32, #tpu.memory_space<hbm>> -> memref<128x64xf32, #tpu.memory_space<hbm>>
    %dma_wait3A_424 = arith.constant 0 : i32
    %dma_wait3A_425 = arith.constant 0 : i32
    %dma_wait3A_426 = tpu.memref_slice %arg6[%dma_wait3A_412, %dma_wait3A_424, %dma_wait3A_425] : memref<8x128x64xf32, #tpu.memory_space<vmem>> -> memref<1x128x64xf32, #tpu.memory_space<vmem>>
    %dma_wait3A_427 = tpu.memref_squeeze %dma_wait3A_426 : memref<1x128x64xf32, #tpu.memory_space<vmem>> -> memref<128x64xf32, #tpu.memory_space<vmem>>
    tpu.wait_dma2 semaphore(%dma_wait3A_421 : memref<!tpu.dma_semaphore, #tpu.memory_space<semaphore_mem>>) src(%dma_wait3A_427 : memref<128x64xf32, #tpu.memory_space<vmem>>) dst(%dma_wait3A_423 : memref<128x64xf32, #tpu.memory_space<hbm>>)
    %add3A_428 = arith.constant 12416 : i32
    %add3A_429 = arith.addi %mul3A_22, %add3A_428 : i32
    %dma_wait3A_430 = arith.constant 1 : i32
    %dma_wait3A_431 = arith.constant 1 : i32
    %dma_wait3A_432 = arith.constant 0 : i32
    %dma_wait3A_433 = arith.constant 0 : i32
    %dma_wait3A_434 = tpu.memref_slice %arg6[%dma_wait3A_430, %dma_wait3A_432, %dma_wait3A_433] : memref<8x128x64xf32, #tpu.memory_space<vmem>> -> memref<1x128x64xf32, #tpu.memory_space<vmem>>
    %dma_wait3A_435 = tpu.memref_squeeze %dma_wait3A_434 : memref<1x128x64xf32, #tpu.memory_space<vmem>> -> memref<128x64xf32, #tpu.memory_space<vmem>>
    %dma_wait3A_436 = arith.constant 0 : i32
    %dma_wait3A_437 = tpu.memref_slice %arg4[%add3A_429, %dma_wait3A_436] : memref<425984x64xf32, #tpu.memory_space<hbm>> -> memref<128x64xf32, #tpu.memory_space<hbm>>
    %dma_wait3A_438 = tpu.memref_slice %arg8[%dma_wait3A_431] : memref<8x!tpu.dma_semaphore, #tpu.memory_space<semaphore_mem>> -> memref<1x!tpu.dma_semaphore, #tpu.memory_space<semaphore_mem>>
    %dma_wait3A_439 = tpu.memref_squeeze %dma_wait3A_438 : memref<1x!tpu.dma_semaphore, #tpu.memory_space<semaphore_mem>> -> memref<!tpu.dma_semaphore, #tpu.memory_space<semaphore_mem>>
    %dma_wait3A_440 = arith.constant 0 : i32
    %dma_wait3A_441 = tpu.memref_slice %arg4[%add3A_429, %dma_wait3A_440] : memref<425984x64xf32, #tpu.memory_space<hbm>> -> memref<128x64xf32, #tpu.memory_space<hbm>>
    %dma_wait3A_442 = arith.constant 0 : i32
    %dma_wait3A_443 = arith.constant 0 : i32
    %dma_wait3A_444 = tpu.memref_slice %arg6[%dma_wait3A_430, %dma_wait3A_442, %dma_wait3A_443] : memref<8x128x64xf32, #tpu.memory_space<vmem>> -> memref<1x128x64xf32, #tpu.memory_space<vmem>>
    %dma_wait3A_445 = tpu.memref_squeeze %dma_wait3A_444 : memref<1x128x64xf32, #tpu.memory_space<vmem>> -> memref<128x64xf32, #tpu.memory_space<vmem>>
    tpu.wait_dma2 semaphore(%dma_wait3A_439 : memref<!tpu.dma_semaphore, #tpu.memory_space<semaphore_mem>>) src(%dma_wait3A_445 : memref<128x64xf32, #tpu.memory_space<vmem>>) dst(%dma_wait3A_441 : memref<128x64xf32, #tpu.memory_space<hbm>>)
    %add3A_446 = arith.constant 12544 : i32
    %add3A_447 = arith.addi %mul3A_22, %add3A_446 : i32
    %dma_wait3A_448 = arith.constant 2 : i32
    %dma_wait3A_449 = arith.constant 2 : i32
    %dma_wait3A_450 = arith.constant 0 : i32
    %dma_wait3A_451 = arith.constant 0 : i32
    %dma_wait3A_452 = tpu.memref_slice %arg6[%dma_wait3A_448, %dma_wait3A_450, %dma_wait3A_451] : memref<8x128x64xf32, #tpu.memory_space<vmem>> -> memref<1x128x64xf32, #tpu.memory_space<vmem>>
    %dma_wait3A_453 = tpu.memref_squeeze %dma_wait3A_452 : memref<1x128x64xf32, #tpu.memory_space<vmem>> -> memref<128x64xf32, #tpu.memory_space<vmem>>
    %dma_wait3A_454 = arith.constant 0 : i32
    %dma_wait3A_455 = tpu.memref_slice %arg4[%add3A_447, %dma_wait3A_454] : memref<425984x64xf32, #tpu.memory_space<hbm>> -> memref<128x64xf32, #tpu.memory_space<hbm>>
    %dma_wait3A_456 = tpu.memref_slice %arg8[%dma_wait3A_449] : memref<8x!tpu.dma_semaphore, #tpu.memory_space<semaphore_mem>> -> memref<1x!tpu.dma_semaphore, #tpu.memory_space<semaphore_mem>>
    %dma_wait3A_457 = tpu.memref_squeeze %dma_wait3A_456 : memref<1x!tpu.dma_semaphore, #tpu.memory_space<semaphore_mem>> -> memref<!tpu.dma_semaphore, #tpu.memory_space<semaphore_mem>>
    %dma_wait3A_458 = arith.constant 0 : i32
    %dma_wait3A_459 = tpu.memref_slice %arg4[%add3A_447, %dma_wait3A_458] : memref<425984x64xf32, #tpu.memory_space<hbm>> -> memref<128x64xf32, #tpu.memory_space<hbm>>
    %dma_wait3A_460 = arith.constant 0 : i32
    %dma_wait3A_461 = arith.constant 0 : i32
    %dma_wait3A_462 = tpu.memref_slice %arg6[%dma_wait3A_448, %dma_wait3A_460, %dma_wait3A_461] : memref<8x128x64xf32, #tpu.memory_space<vmem>> -> memref<1x128x64xf32, #tpu.memory_space<vmem>>
    %dma_wait3A_463 = tpu.memref_squeeze %dma_wait3A_462 : memref<1x128x64xf32, #tpu.memory_space<vmem>> -> memref<128x64xf32, #tpu.memory_space<vmem>>
    tpu.wait_dma2 semaphore(%dma_wait3A_457 : memref<!tpu.dma_semaphore, #tpu.memory_space<semaphore_mem>>) src(%dma_wait3A_463 : memref<128x64xf32, #tpu.memory_space<vmem>>) dst(%dma_wait3A_459 : memref<128x64xf32, #tpu.memory_space<hbm>>)
    %add3A_464 = arith.constant 12672 : i32
    %add3A_465 = arith.addi %mul3A_22, %add3A_464 : i32
    %dma_wait3A_466 = arith.constant 3 : i32
    %dma_wait3A_467 = arith.constant 3 : i32
    %dma_wait3A_468 = arith.constant 0 : i32
    %dma_wait3A_469 = arith.constant 0 : i32
    %dma_wait3A_470 = tpu.memref_slice %arg6[%dma_wait3A_466, %dma_wait3A_468, %dma_wait3A_469] : memref<8x128x64xf32, #tpu.memory_space<vmem>> -> memref<1x128x64xf32, #tpu.memory_space<vmem>>
    %dma_wait3A_471 = tpu.memref_squeeze %dma_wait3A_470 : memref<1x128x64xf32, #tpu.memory_space<vmem>> -> memref<128x64xf32, #tpu.memory_space<vmem>>
    %dma_wait3A_472 = arith.constant 0 : i32
    %dma_wait3A_473 = tpu.memref_slice %arg4[%add3A_465, %dma_wait3A_472] : memref<425984x64xf32, #tpu.memory_space<hbm>> -> memref<128x64xf32, #tpu.memory_space<hbm>>
    %dma_wait3A_474 = tpu.memref_slice %arg8[%dma_wait3A_467] : memref<8x!tpu.dma_semaphore, #tpu.memory_space<semaphore_mem>> -> memref<1x!tpu.dma_semaphore, #tpu.memory_space<semaphore_mem>>
    %dma_wait3A_475 = tpu.memref_squeeze %dma_wait3A_474 : memref<1x!tpu.dma_semaphore, #tpu.memory_space<semaphore_mem>> -> memref<!tpu.dma_semaphore, #tpu.memory_space<semaphore_mem>>
    %dma_wait3A_476 = arith.constant 0 : i32
    %dma_wait3A_477 = tpu.memref_slice %arg4[%add3A_465, %dma_wait3A_476] : memref<425984x64xf32, #tpu.memory_space<hbm>> -> memref<128x64xf32, #tpu.memory_space<hbm>>
    %dma_wait3A_478 = arith.constant 0 : i32
    %dma_wait3A_479 = arith.constant 0 : i32
    %dma_wait3A_480 = tpu.memref_slice %arg6[%dma_wait3A_466, %dma_wait3A_478, %dma_wait3A_479] : memref<8x128x64xf32, #tpu.memory_space<vmem>> -> memref<1x128x64xf32, #tpu.memory_space<vmem>>
    %dma_wait3A_481 = tpu.memref_squeeze %dma_wait3A_480 : memref<1x128x64xf32, #tpu.memory_space<vmem>> -> memref<128x64xf32, #tpu.memory_space<vmem>>
    tpu.wait_dma2 semaphore(%dma_wait3A_475 : memref<!tpu.dma_semaphore, #tpu.memory_space<semaphore_mem>>) src(%dma_wait3A_481 : memref<128x64xf32, #tpu.memory_space<vmem>>) dst(%dma_wait3A_477 : memref<128x64xf32, #tpu.memory_space<hbm>>)
    %add3A_482 = arith.constant 12800 : i32
    %add3A_483 = arith.addi %mul3A_22, %add3A_482 : i32
    %dma_wait3A_484 = arith.constant 4 : i32
    %dma_wait3A_485 = arith.constant 4 : i32
    %dma_wait3A_486 = arith.constant 0 : i32
    %dma_wait3A_487 = arith.constant 0 : i32
    %dma_wait3A_488 = tpu.memref_slice %arg6[%dma_wait3A_484, %dma_wait3A_486, %dma_wait3A_487] : memref<8x128x64xf32, #tpu.memory_space<vmem>> -> memref<1x128x64xf32, #tpu.memory_space<vmem>>
    %dma_wait3A_489 = tpu.memref_squeeze %dma_wait3A_488 : memref<1x128x64xf32, #tpu.memory_space<vmem>> -> memref<128x64xf32, #tpu.memory_space<vmem>>
    %dma_wait3A_490 = arith.constant 0 : i32
    %dma_wait3A_491 = tpu.memref_slice %arg4[%add3A_483, %dma_wait3A_490] : memref<425984x64xf32, #tpu.memory_space<hbm>> -> memref<128x64xf32, #tpu.memory_space<hbm>>
    %dma_wait3A_492 = tpu.memref_slice %arg8[%dma_wait3A_485] : memref<8x!tpu.dma_semaphore, #tpu.memory_space<semaphore_mem>> -> memref<1x!tpu.dma_semaphore, #tpu.memory_space<semaphore_mem>>
    %dma_wait3A_493 = tpu.memref_squeeze %dma_wait3A_492 : memref<1x!tpu.dma_semaphore, #tpu.memory_space<semaphore_mem>> -> memref<!tpu.dma_semaphore, #tpu.memory_space<semaphore_mem>>
    %dma_wait3A_494 = arith.constant 0 : i32
    %dma_wait3A_495 = tpu.memref_slice %arg4[%add3A_483, %dma_wait3A_494] : memref<425984x64xf32, #tpu.memory_space<hbm>> -> memref<128x64xf32, #tpu.memory_space<hbm>>
    %dma_wait3A_496 = arith.constant 0 : i32
    %dma_wait3A_497 = arith.constant 0 : i32
    %dma_wait3A_498 = tpu.memref_slice %arg6[%dma_wait3A_484, %dma_wait3A_496, %dma_wait3A_497] : memref<8x128x64xf32, #tpu.memory_space<vmem>> -> memref<1x128x64xf32, #tpu.memory_space<vmem>>
    %dma_wait3A_499 = tpu.memref_squeeze %dma_wait3A_498 : memref<1x128x64xf32, #tpu.memory_space<vmem>> -> memref<128x64xf32, #tpu.memory_space<vmem>>
    tpu.wait_dma2 semaphore(%dma_wait3A_493 : memref<!tpu.dma_semaphore, #tpu.memory_space<semaphore_mem>>) src(%dma_wait3A_499 : memref<128x64xf32, #tpu.memory_space<vmem>>) dst(%dma_wait3A_495 : memref<128x64xf32, #tpu.memory_space<hbm>>)
    %add3A_500 = arith.constant 12928 : i32
    %add3A_501 = arith.addi %mul3A_22, %add3A_500 : i32
    %dma_wait3A_502 = arith.constant 5 : i32
    %dma_wait3A_503 = arith.constant 5 : i32
    %dma_wait3A_504 = arith.constant 0 : i32
    %dma_wait3A_505 = arith.constant 0 : i32
    %dma_wait3A_506 = tpu.memref_slice %arg6[%dma_wait3A_502, %dma_wait3A_504, %dma_wait3A_505] : memref<8x128x64xf32, #tpu.memory_space<vmem>> -> memref<1x128x64xf32, #tpu.memory_space<vmem>>
    %dma_wait3A_507 = tpu.memref_squeeze %dma_wait3A_506 : memref<1x128x64xf32, #tpu.memory_space<vmem>> -> memref<128x64xf32, #tpu.memory_space<vmem>>
    %dma_wait3A_508 = arith.constant 0 : i32
    %dma_wait3A_509 = tpu.memref_slice %arg4[%add3A_501, %dma_wait3A_508] : memref<425984x64xf32, #tpu.memory_space<hbm>> -> memref<128x64xf32, #tpu.memory_space<hbm>>
    %dma_wait3A_510 = tpu.memref_slice %arg8[%dma_wait3A_503] : memref<8x!tpu.dma_semaphore, #tpu.memory_space<semaphore_mem>> -> memref<1x!tpu.dma_semaphore, #tpu.memory_space<semaphore_mem>>
    %dma_wait3A_511 = tpu.memref_squeeze %dma_wait3A_510 : memref<1x!tpu.dma_semaphore, #tpu.memory_space<semaphore_mem>> -> memref<!tpu.dma_semaphore, #tpu.memory_space<semaphore_mem>>
    %dma_wait3A_512 = arith.constant 0 : i32
    %dma_wait3A_513 = tpu.memref_slice %arg4[%add3A_501, %dma_wait3A_512] : memref<425984x64xf32, #tpu.memory_space<hbm>> -> memref<128x64xf32, #tpu.memory_space<hbm>>
    %dma_wait3A_514 = arith.constant 0 : i32
    %dma_wait3A_515 = arith.constant 0 : i32
    %dma_wait3A_516 = tpu.memref_slice %arg6[%dma_wait3A_502, %dma_wait3A_514, %dma_wait3A_515] : memref<8x128x64xf32, #tpu.memory_space<vmem>> -> memref<1x128x64xf32, #tpu.memory_space<vmem>>
    %dma_wait3A_517 = tpu.memref_squeeze %dma_wait3A_516 : memref<1x128x64xf32, #tpu.memory_space<vmem>> -> memref<128x64xf32, #tpu.memory_space<vmem>>
    tpu.wait_dma2 semaphore(%dma_wait3A_511 : memref<!tpu.dma_semaphore, #tpu.memory_space<semaphore_mem>>) src(%dma_wait3A_517 : memref<128x64xf32, #tpu.memory_space<vmem>>) dst(%dma_wait3A_513 : memref<128x64xf32, #tpu.memory_space<hbm>>)
    %add3A_518 = arith.constant 13056 : i32
    %add3A_519 = arith.addi %mul3A_22, %add3A_518 : i32
    %dma_wait3A_520 = arith.constant 6 : i32
    %dma_wait3A_521 = arith.constant 6 : i32
    %dma_wait3A_522 = arith.constant 0 : i32
    %dma_wait3A_523 = arith.constant 0 : i32
    %dma_wait3A_524 = tpu.memref_slice %arg6[%dma_wait3A_520, %dma_wait3A_522, %dma_wait3A_523] : memref<8x128x64xf32, #tpu.memory_space<vmem>> -> memref<1x128x64xf32, #tpu.memory_space<vmem>>
    %dma_wait3A_525 = tpu.memref_squeeze %dma_wait3A_524 : memref<1x128x64xf32, #tpu.memory_space<vmem>> -> memref<128x64xf32, #tpu.memory_space<vmem>>
    %dma_wait3A_526 = arith.constant 0 : i32
    %dma_wait3A_527 = tpu.memref_slice %arg4[%add3A_519, %dma_wait3A_526] : memref<425984x64xf32, #tpu.memory_space<hbm>> -> memref<128x64xf32, #tpu.memory_space<hbm>>
    %dma_wait3A_528 = tpu.memref_slice %arg8[%dma_wait3A_521] : memref<8x!tpu.dma_semaphore, #tpu.memory_space<semaphore_mem>> -> memref<1x!tpu.dma_semaphore, #tpu.memory_space<semaphore_mem>>
    %dma_wait3A_529 = tpu.memref_squeeze %dma_wait3A_528 : memref<1x!tpu.dma_semaphore, #tpu.memory_space<semaphore_mem>> -> memref<!tpu.dma_semaphore, #tpu.memory_space<semaphore_mem>>
    %dma_wait3A_530 = arith.constant 0 : i32
    %dma_wait3A_531 = tpu.memref_slice %arg4[%add3A_519, %dma_wait3A_530] : memref<425984x64xf32, #tpu.memory_space<hbm>> -> memref<128x64xf32, #tpu.memory_space<hbm>>
    %dma_wait3A_532 = arith.constant 0 : i32
    %dma_wait3A_533 = arith.constant 0 : i32
    %dma_wait3A_534 = tpu.memref_slice %arg6[%dma_wait3A_520, %dma_wait3A_532, %dma_wait3A_533] : memref<8x128x64xf32, #tpu.memory_space<vmem>> -> memref<1x128x64xf32, #tpu.memory_space<vmem>>
    %dma_wait3A_535 = tpu.memref_squeeze %dma_wait3A_534 : memref<1x128x64xf32, #tpu.memory_space<vmem>> -> memref<128x64xf32, #tpu.memory_space<vmem>>
    tpu.wait_dma2 semaphore(%dma_wait3A_529 : memref<!tpu.dma_semaphore, #tpu.memory_space<semaphore_mem>>) src(%dma_wait3A_535 : memref<128x64xf32, #tpu.memory_space<vmem>>) dst(%dma_wait3A_531 : memref<128x64xf32, #tpu.memory_space<hbm>>)
    %add3A_536 = arith.constant 13184 : i32
    %add3A_537 = arith.addi %mul3A_22, %add3A_536 : i32
    %dma_wait3A_538 = arith.constant 7 : i32
    %dma_wait3A_539 = arith.constant 7 : i32
    %dma_wait3A_540 = arith.constant 0 : i32
    %dma_wait3A_541 = arith.constant 0 : i32
    %dma_wait3A_542 = tpu.memref_slice %arg6[%dma_wait3A_538, %dma_wait3A_540, %dma_wait3A_541] : memref<8x128x64xf32, #tpu.memory_space<vmem>> -> memref<1x128x64xf32, #tpu.memory_space<vmem>>
    %dma_wait3A_543 = tpu.memref_squeeze %dma_wait3A_542 : memref<1x128x64xf32, #tpu.memory_space<vmem>> -> memref<128x64xf32, #tpu.memory_space<vmem>>
    %dma_wait3A_544 = arith.constant 0 : i32
    %dma_wait3A_545 = tpu.memref_slice %arg4[%add3A_537, %dma_wait3A_544] : memref<425984x64xf32, #tpu.memory_space<hbm>> -> memref<128x64xf32, #tpu.memory_space<hbm>>
    %dma_wait3A_546 = tpu.memref_slice %arg8[%dma_wait3A_539] : memref<8x!tpu.dma_semaphore, #tpu.memory_space<semaphore_mem>> -> memref<1x!tpu.dma_semaphore, #tpu.memory_space<semaphore_mem>>
    %dma_wait3A_547 = tpu.memref_squeeze %dma_wait3A_546 : memref<1x!tpu.dma_semaphore, #tpu.memory_space<semaphore_mem>> -> memref<!tpu.dma_semaphore, #tpu.memory_space<semaphore_mem>>
    %dma_wait3A_548 = arith.constant 0 : i32
    %dma_wait3A_549 = tpu.memref_slice %arg4[%add3A_537, %dma_wait3A_548] : memref<425984x64xf32, #tpu.memory_space<hbm>> -> memref<128x64xf32, #tpu.memory_space<hbm>>
    %dma_wait3A_550 = arith.constant 0 : i32
    %dma_wait3A_551 = arith.constant 0 : i32
    %dma_wait3A_552 = tpu.memref_slice %arg6[%dma_wait3A_538, %dma_wait3A_550, %dma_wait3A_551] : memref<8x128x64xf32, #tpu.memory_space<vmem>> -> memref<1x128x64xf32, #tpu.memory_space<vmem>>
    %dma_wait3A_553 = tpu.memref_squeeze %dma_wait3A_552 : memref<1x128x64xf32, #tpu.memory_space<vmem>> -> memref<128x64xf32, #tpu.memory_space<vmem>>
    tpu.wait_dma2 semaphore(%dma_wait3A_547 : memref<!tpu.dma_semaphore, #tpu.memory_space<semaphore_mem>>) src(%dma_wait3A_553 : memref<128x64xf32, #tpu.memory_space<vmem>>) dst(%dma_wait3A_549 : memref<128x64xf32, #tpu.memory_space<hbm>>)
    return
  }
}

</mosaic_0001>

<sc_bundles>
// kernel: _fused_gather.3.cloned.1.call-start
scs
__scs_entry_jumppad:
0x0: {  	(pc) =	sbr.rel $0x88, $3  }
0x1: {  	(tag) =	ssettag $0x0;
	lr =	simm.s32 $0x1  }
0x2: {  	[smem:$0x3F9F] =	sst lr;
	_ =	strace $0xD0000000  }
0x3: {  	_ = 	snop  }
0x4: {  	_ = 	snop  }
0x5: {  	_ = 	snop  }
0x6: {  	_ = 	snop  }
0x7: {  	_ = 	snop  }
__scs_overlays_trampoline_lowered:
0x8: {  	[smem:$0x3FAE] =	sst s0  }
0x9: {  	[smem:$0x3FAF] =	sst s1  }
0xa: {  	[smem:$0x3FB0] =	sst s2  }
0xb: {  	[smem:$0x3FB1] =	sst s3  }
0xc: {  	[smem:$0x3FB2] =	sst s4  }
0xd: {  	[smem:$0x3FB3] =	sst s5  }
0xe: {  	[smem:$0x3FB4] =	sst s6  }
0xf: {  	[smem:$0x3FB5] =	sst s7  }
0x10: {  	[smem:$0x3FB6] =	sst s8  }
0x11: {  	[smem:$0x3FB7] =	sst s9;
	s0 =	simm.s32 @!p0 $0x0  }
0x12: {  	s1 =	sld [smem:$0x3F9D];
	s0 =	simm.s32 @p0 $0x1  }
0x13: {  	[smem:$0x3FB8] =	sst s0;
	s0 =	simm.s32 @!p1 $0x0  }
0x14: {  	s2 =	sld [smem:$0x3F9C];
	s0 =	simm.s32 @p1 $0x1  }
0x15: {  	[smem:$0x3FB9] =	sst s0;
	s0 =	simm.s32 @!p2 $0x0  }
0x16: {  	s3 =	sld [smem:$0x3FDB];
	s0 =	simm.s32 @p2 $0x1  }
0x17: {  	s4 =	simm.s32 $0x1BF5;
	[smem:$0x3FBB] =	sst s0  }
0x18: {  	s0 =	sld [smem:$0x3F9E];
	_ =	swait.ge [sflag:s4], $0x0  }
0x19: {  	s7 =	sld [smem:$0x3F9F]  }
0x1a: {  	s8 =	sadd.s32 $0xFFFFE003, lr  }
0x1b: {  	s9 =	sadd.s32 $0xFFFFFEF7, lr;
	s5 =	simm.s32 $0xFFFFFFFF;
	p2 =	slt.u32 s8, $0xFFFFF086  }
0x1c: {  	p1 =	slt.u32 s9, $0xF7A;
	s5 =	simm.s32 @!p2 $0x0  }
0x1d: {  	s5 =	simm.s32 @p1 $0x1;
	p0 =	seq.s32 s7, s2  }
0x1e: {  	s7 =	smul.u32 @!p0 $0xF7A, s2;
	p2 =	seq.s32 @!p0 s5, $0x0  }
0x1f: {  	s9 =	smul.u32 $0xF7A, s1;
	s8 =	simm.s32 @!p0 $0x1BF5;
	p2 =	por !p2, p0  }
0x20: {  	[sflag:s8] =	ssyncset.s32 @!p0 $0xFFFFF086;
	s6 =	sadd.s32 @!p0 s3, s7;
	s7 =	simm.s32 @!p0 $0x108  }
0x21: {  	s3 =	sadd.s32 s3, s9;
	s6 =	sadd.s32 @!p0 $0x88, s6;
	s7 =	simm.s32 @p2 $0x1082  }
0x22: {  	[simem:s7], [sflag:s8] =	dma.local @!p0 [hbm:s6], $0xF7A  }
0x23: {  	s9 =	sor.u32 $0xD0000000, s2;
	s6 =	simm.s32 $0x108;
	_ =	swait.ge @!p0 [sflag:s8], $0x0  }
0x24: {  	s3 =	sadd.s32 $0x88, s3;
	s6 =	simm.s32 @!p1 $0x1082;
	[sflag:s4] =	ssyncset.s32 $0xFFFFF086  }
0x25: {  	[simem:s6], [sflag:s4] =	dma.local [hbm:s3], $0xF7A  }
0x26: {  	[smem:$0x3F9F] =	sst s1;
	(tag) =	ssettag s2;
	_ =	strace s9  }
0x27: {  	s1 =	sld [smem:$0x3FAF]  }
0x28: {  	s2 =	sld [smem:$0x3FB0]  }
0x29: {  	s4 =	sld [smem:$0x3FB2]  }
0x2a: {  	p0 =	seq.s32 s5, $0x0;
	s5 =	sld [smem:$0x3FB3]  }
0x2b: {  	s6 =	sld [smem:$0x3FB4]  }
0x2c: {  	s7 =	sld [smem:$0x3FB5]  }
0x2d: {  	s3 =	simm.s32 $0x108;
	s8 =	sld [smem:$0x3FB6]  }
0x2e: {  	s3 =	simm.s32 @!p0 $0x1082;
	s9 =	sld [smem:$0x3FB7]  }
0x2f: {  	lr =	sadd.s32 s0, s3;
	s0 =	sld [smem:$0x3FAE]  }
0x30: {  	s3 =	sld [smem:$0x3FB1]  }
0x31: {  	[smem:$0x3FBA] =	sst s10  }
0x32: {  	s10 =	sld [smem:$0x3FB8];
	_ =	sdelay $0x3  }
0x33: {  	p0 =	seq.s32 s10, $0x1;
	s10 =	sld [smem:$0x3FBA];
	_ =	sdelay $0x3  }
0x34: {  	[smem:$0x3FBA] =	sst s10  }
0x35: {  	s10 =	sld [smem:$0x3FB9];
	_ =	sdelay $0x3  }
0x36: {  	p1 =	seq.s32 s10, $0x1;
	s10 =	sld [smem:$0x3FBA];
	_ =	sdelay $0x3  }
0x37: {  	[smem:$0x3FBA] =	sst s10  }
0x38: {  	s10 =	sld [smem:$0x3FBB]  }
0x39: {  	_ = 	snop;
	(pc) =	sbr.ind lr, $3  }
0x3a: {  	_ = 	snop  }
0x3b: {  	_ = 	snop  }
0x3c: {  	p2 =	seq.s32 s10, $0x1;
	s10 =	sld [smem:$0x3FBA]  }
0x3d: {  	_ =	shalt  }
0x3e: {  	_ =	shalt  }
0x3f: {  	_ =	shalt  }
0x40: {  	_ =	shalt  }
0x41: {  	_ =	shalt  }
0x42: {  	_ =	shalt  }
0x43: {  	_ =	shalt  }
0x44: {  	_ =	shalt  }
0x45: {  	_ =	shalt  }
0x46: {  	_ =	shalt  }
0x47: {  	_ =	shalt  }
0x48: {  	_ =	shalt  }
0x49: {  	_ =	shalt  }
0x4a: {  	_ =	shalt  }
0x4b: {  	_ =	shalt  }
0x4c: {  	_ =	shalt  }
0x4d: {  	_ =	shalt  }
0x4e: {  	_ =	shalt  }
0x4f: {  	_ =	shalt  }
0x50: {  	_ =	shalt  }
0x51: {  	_ =	shalt  }
0x52: {  	_ =	shalt  }
0x53: {  	_ =	shalt  }
0x54: {  	_ =	shalt  }
0x55: {  	_ =	shalt  }
0x56: {  	_ =	shalt  }
0x57: {  	_ =	shalt  }
0x58: {  	_ =	shalt  }
0x59: {  	_ =	shalt  }
0x5a: {  	_ =	shalt  }
0x5b: {  	_ =	shalt  }
0x5c: {  	_ =	shalt  }
0x5d: {  	_ =	shalt  }
0x5e: {  	_ =	shalt  }
0x5f: {  	_ =	shalt  }
0x60: {  	_ =	shalt  }
0x61: {  	_ =	shalt  }
0x62: {  	_ =	shalt  }
0x63: {  	_ =	shalt  }
0x64: {  	_ =	shalt  }
0x65: {  	_ =	shalt  }
0x66: {  	_ =	shalt  }
0x67: {  	_ =	shalt  }
0x68: {  	_ =	shalt  }
0x69: {  	_ =	shalt  }
0x6a: {  	_ =	shalt  }
0x6b: {  	_ =	shalt  }
0x6c: {  	_ =	shalt  }
0x6d: {  	_ =	shalt  }
0x6e: {  	_ =	shalt  }
0x6f: {  	_ =	shalt  }
0x70: {  	_ =	shalt  }
0x71: {  	_ =	shalt  }
0x72: {  	_ =	shalt  }
0x73: {  	_ =	shalt  }
0x74: {  	_ =	shalt  }
0x75: {  	_ =	shalt  }
0x76: {  	_ =	shalt  }
0x77: {  	_ =	shalt  }
0x78: {  	_ =	shalt  }
0x79: {  	_ =	shalt  }
0x7a: {  	_ =	shalt  }
0x7b: {  	_ =	shalt  }
0x7c: {  	_ =	shalt  }
0x7d: {  	_ =	shalt  }
0x7e: {  	_ =	shalt  }
0x7f: {  	_ =	shalt  }
0x80: {  	_ =	shalt  }
0x81: {  	_ =	shalt  }
0x82: {  	_ =	shalt  }
0x83: {  	_ =	shalt  }
0x84: {  	_ =	shalt  }
0x85: {  	_ =	shalt  }
0x86: {  	_ =	shalt  }
0x87: {  	_ =	shalt  }
.Lfunc_end0:
.L_simem_size_0:
called_computation.1_lowered:
.L_overlay_start_0:
0x88: {  	s2 =	sld [smem:$0x3FD9]  }
0x89: {  	s3 =	sld [smem:$0x3FFE];
	_ =	sdelay $0x1  }
0x8a: {  	s1 =	srdreg.scid  }
0x8b: {  	s0 =	sand.u32 $0x1, s1  }
0x8c: {  	s17 =	sshll.u32 s0, $0xA;
	s2 =	sadd.s32 s3, s2  }
0x8d: {  	s2 =	sadd.s32 s2, s17  }
0x8e: {  	[smem:$0x3FC6] =	sst s2  }
0x8f: {  	_ = 	snop  }
0x90: {  	s2 =	sld [smem:$0x3FC9]  }
0x91: {  	s18 =	sld [smem:$0x3FD0];
	(tm) =	ssettm $0x1  }
0x92: {  	s4 =	sld [smem:$0x3FFB];
	_ =	sdelay $0x3  }
0x93: {  	_ =	strace s4  }
0x94: {  	s4 =	sld [smem:$0x3FFC];
	_ =	sdelay $0x3  }
0x95: {  	_ =	strace s4  }
0x96: {  	s4 =	sld [smem:$0x3FFD];
	_ =	sdelay $0x3  }
0x97: {  	_ =	strace s4  }
0x98: {  	_ =	strace $0x8FFFFFFF  }
0x99: {  	s19 =	sld [smem:$0x3FDB];
	_ =	sdelay $0x1  }
0x9a: {  	s5 =	simm.s32 $_scs_section_size  }
0x9b: {  	s6 =	simm.s32 $_size__tile_overlayer_lowered;
	s7 =	simm.s32 $_tile_overlayer_lowered  }
0x9c: {  	s22 =	simm.s32 $0x1BFF;
	s21 =	sshll.u32 s7, $0x1;
	s4 =	sadd.s32 s5, s19  }
0x9d: {  	s8 =	simm.s32 $0x0;
	s20 =	sshll.u32 s6, $0x1;
	s6 =	sadd.s32 s21, s4  }
0x9e: {  	[timem:s8], [sflag:s22] =	dma.local [hbm:s6], s20  }
0x9f: {  	_ =	swait.ge [sflag:s22], s20  }
0xa0: {  	s5 =	ssub.s32 $0x0, s20;
	[sflag:s22] =	ssyncset.done $0x0  }
0xa1: {  	[sflag:s22] =	ssyncadd.s32 s5;
	_ =	sdelay $0x1  }
0xa2: {  	s23 =	simm.s32 $0x1B8B  }
0xa3: {  	_ =	swait.ge [sflag:s23], $0x1  }
0xa4: {  	[sflag:s23] =	ssyncset.done $0x0  }
0xa5: {  	s25 =	simm.s32 $0x1B8E;
	s24 =	sld [smem:$0x3FFE];
	[sflag:s23] =	ssyncadd.s32 $0xFFFFFFFF  }
0xa6: {  	s26 =	simm.s32 $execute0_lowered;
	[smem:$0x3FD2] =	sst s25  }
0xa7: {  	s6 =	sshll.u32 s26, $0x1;
	_ =	strace $0x80000046;
	[dreg:$0x1] =	wrdreg $0xFFFFFFFF  }
0xa8: {  	s28 =	simm.s32 $_size_execute0_lowered;
	s4 =	sadd.s32 s4, s6;
	[dreg:$0x0] =	wrdreg $0x0  }
0xa9: {  	s6 =	sshll.u32 s28, $0x1;
	[dreg:$0x2] =	wrdreg s4  }
0xaa: {  	[dreg:$0x3] =	wrdreg s6  }
0xab: {  	[dreg:$0x4] =	wrdreg $0xC0  }
0xac: {  	_ =	task [dreg:s8], $0x5FFFF  }
0xad: {  	[dreg:$0x1] =	wrdreg $0xFFFFFFFF  }
0xae: {  	[dreg:$0x0] =	wrdreg $0x60  }
0xaf: {  	[dreg:$0x2] =	wrdreg s2  }
0xb0: {  	[dreg:$0x3] =	wrdreg s24  }
0xb1: {  	[dreg:$0x4] =	wrdreg s18  }
0xb2: {  	[dreg:$0x5] =	wrdreg $0x9  }
0xb3: {  	_ =	task.clear_ibuf [dreg:s8], $0x6FFFF;
	_ =	strace $0x90000046  }
0xb4: {  	s29 =	simm.s32 $0x9;
	_ =	strace $0x80000048  }
0xb5: {  	_ =	swait.ge [sflag:s29], $0x1  }
0xb6: {  	[sflag:s29] =	ssyncadd.s32 $0xFFFFFFFF  }
0xb7: {  	_ =	strace $0x90000048  }
0xb8: {  	_ =	sfence  }
0xb9: {  	s30 =	sld [smem:$0x0];
	_ =	sdelay $0x2  }
0xba: {  	s31 =	sshll.u32 s1, $0xD;
	s1 =	sshrl.u32 s1, $0x2  }
0xbb: {  	s3 =	sand.u32 $0x4000, s31;
	s1 =	sadd.s32 s1, s30  }
0xbc: {  	s0 =	sor.u32 s3, s0;
	s1 =	sshll.u32 s1, $0x11  }
0xbd: {  	s0 =	sor.u32 s1, s0  }
0xbe: {  	s0 =	sadd.s32 $0x8F2B, s0  }
0xbf: {  	[sflag:s0] =	ssyncadd.remote.s32 $0x1  }
0xc0: {  	_ =	sfence.sel $0xFFFF  }
0xc1: {  	[dreg:$0x0] =	wrdreg $0xFFFFFFFF;
	(pc) =	sbr.abs _section_cstart, $3  }
0xc2: {  	[dreg:$0x1] =	wrdreg $0xFFFFFFFF  }
0xc3: {  	_ =	task.clear_ibuf [dreg:s8], $0x2FFFF;
	_ =	strace $0x9FFFFFFF  }
0xc4: {  	(tm) =	ssettm $0x7FFFFFFF  }
0xc5: {  	_ =	shalt  }
tec
execute0_lowered:
.L_overlay_start_1:
0x0: {  	(tag) =	ssettag $0x1  }
0x1: {  	s0 =	srdreg.scid;
	s10 =	stileid.u32  }
0x2: {  	s1 =	rddreg [dreg:$0x0];
	s7 =	smul.u32 $0x1A0000, s10  }
0x3: {  	s0 =	sand.u32 $0x1, s0;
	s2 =	sshll.u32 s10, $0x1;
	s10 =	smul.u32 $0x6800, s10  }
0x4: {  	s3 =	rddreg [dreg:$0x1];
	s8 =	smul.u32 $0xD0000, s0  }
0x5: {  	s4 =	sor.u32 s0, s2;
	s9 =	ssub.s32 $0x2, s0;
	s0 =	smul.u32 $0x3400, s0  }
0x6: {  	s5 =	rddreg [dreg:$0x2];
	s2 =	simm.s32 $0x0;
	s6 =	smul.u32 $0x3400, s4  }
0x7: {  	[smem:$0x7FF] =	sst s2;
	s11 =	sshrl.u32 s9, $0x1;
	s4 =	smul.u32 $0xD0000, s4  }
0x8: {  	_ =	strace $0x80000047;
	s9 =	ssub.s32 s9, s11;
	s0 =	sadd.s32 s0, s10  }
0x9: {  	s6 =	sshrl.u32 s6, $0x3;
	s4 =	sshrl.u32 s4, $0x3;
	s26 =	smax.u32 s9, $0x1  }
0xa: {  	s1 =	sadd.s32 s1, s6;
	s4 =	sadd.s32 s5, s4;
	[dreg:$0x15] =	wrdreg s26  }
0xb: {  	s0 =	sshll.u32 s0, $0x3;
	[dreg:$0xc] =	wrdreg s1;
	s12 =	sadd.s32 $0x18000, s4  }
0xc: {  	s0 =	sadd.s32 s0, s5;
	s14 =	sadd.s32 $0x18400, s4;
	[dreg:$0xd] =	wrdreg s12  }
0xd: {  	s31 =	simm.s32 $0x1;
	s13 =	sadd.s32 $0x1C00, s0;
	[dreg:$0xe] =	wrdreg s14  }
0xe: {  	s29 =	simm.s32 $0x9;
	s16 =	sadd.s32 $0x18800, s4;
	[dreg:$0x5] =	wrdreg s13  }
0xf: {  	s28 =	simm.s32 $0xD400;
	s15 =	sadd.s32 $0x1800, s0;
	[dreg:$0xf] =	wrdreg s16  }
0x10: {  	s30 =	simm.s32 $0xF400;
	s18 =	sadd.s32 $0x18C00, s4;
	[dreg:$0x6] =	wrdreg s15  }
0x11: {  	s3 =	sadd.s32 $0x27ACC00, s3;
	s17 =	sadd.s32 $0x1400, s0;
	[dreg:$0x10] =	wrdreg s18  }
0x12: {  	s11 =	sadd.s32 s8, s7;
	s20 =	sadd.s32 $0x19000, s4;
	[dreg:$0x7] =	wrdreg s17  }
0x13: {  	s7 =	simm.s32 $0xD;
	s19 =	sadd.s32 $0x1000, s0;
	[dreg:$0x11] =	wrdreg s20  }
0x14: {  	s8 =	simm.s32 $0xE;
	s22 =	sadd.s32 $0x19400, s4;
	[dreg:$0x8] =	wrdreg s19  }
0x15: {  	s10 =	simm.s32 $0x10;
	s21 =	sadd.s32 $0xC00, s0;
	[dreg:$0x12] =	wrdreg s22  }
0x16: {  	s9 =	simm.s32 $0xF;
	s24 =	sadd.s32 $0x19800, s4;
	[dreg:$0x9] =	wrdreg s21  }
0x17: {  	s26 =	simm.s32 $0x8;
	s23 =	sadd.s32 $0x800, s0;
	[dreg:$0x13] =	wrdreg s24  }
0x18: {  	s6 =	simm.s32 $0xC;
	s25 =	sadd.s32 $0x19C00, s4;
	[dreg:$0xa] =	wrdreg s23  }
0x19: {  	s1 =	sshrl.u32 s11, $0x3;
	s0 =	sadd.s32 $0x400, s0;
	[dreg:$0x14] =	wrdreg s25  }
0x1a: {  	s4 =	simm.s32 $0xA;
	s1 =	sadd.s32 s1, s5;
	[dreg:$0xb] =	wrdreg s0  }
0x1b: {  	s15 =	simm.s32 $0x80;
	s0 =	simm.s32 $0x3;
	s18 =	simm.s32 $0x4  }
0x1c: {  	s20 =	simm.s32 $0x5;
	s22 =	simm.s32 $0x6;
	s24 =	simm.s32 $0x7  }
0x1d: {  	s5 =	simm.s32 $0xB;
	s12 =	simm.s32 $0x0;
	s17 =	simm.s32 $0x3400  }
0x1e: {  	s19 =	simm.s32 $0x5400;
	s21 =	simm.s32 $0x7400;
	s23 =	simm.s32 $0x9400  }
0x1f: {  	s25 =	simm.s32 $0xB400;
	[dreg:$0x4] =	wrdreg s1;
	s1 =	simm.s32 $0x2  }
.LBB2_1:
0x20: {  	[dreg:$0x16] =	wrdreg s12  }
0x21: {  	s11 =	rddreg [dreg:$0xc];
	s13 =	simm.s32 $0x11  }
0x22: {  	[tilespmem:s2], [sflag:$0x11] =	stream.linear.gather [hbm4b:s11+s2], $0x3400, $0x38;
	[tilespmem:$0x13400] =	vst v63  }
0x23: {  	s12 =	sand.u32 $0xFE00, s2;
	_ =	swait.ge [sflag:s13], $0x3400  }
0x24: {  	s14 =	sand.u32 $0x70, s2;
	s11 =	sshrl.u32 s12, $0x2;
	[sflag:s13] =	ssyncset.done $0x0  }
0x25: {  	s11 =	sor.u32 s14, s11;
	[sflag:s13] =	ssyncadd.s32 $0xFFFFCC00  }
0x26: {  	v1 =	vld [tilespmem:s11+$0x0];
	_ =	sdelay $0x1  }
0x27: {  	v0 =	vlaneseq.u32  }
0x28: {  	s16 =	simm.s32 $0x40;
	v3 =	vmul.u32 $0x186A0, v0  }
0x29: {  	s12 =	simm.s32 $0x80;
	v2 =	vadd.s32 $0x10, v0;
	s14 =	sand.u32 $0xFE00, s16;
	s13 =	simm.s32 $0x10  }
.LBB2_2:
0x2a: {  	p0 =	sne.s32 s12, $0xCFC0;
	s16 =	sand.u32 $0x70, s13;
	s14 =	sshrl.u32 s14, $0x2;
	v1 =	vadd.s32 v3, v1;
	vm0 =	vgt.s32 v2, $0x19;
	v0 =	vadd.s32 $0xFFFFFFF6, v0  }
0x2b: {  	[tilespmem:s11+$0x0] =	vst v1;
	s11 =	sor.u32 s16, s14;
	v0 =	vsel vm0, v0, v2  }
.Ltmp0:
0x2c: {  	v1 =	vld [tilespmem:s11+$0x0];
	(pc) =	sbr.rel @p0 .LBB2_2-.Ltmp0, $3  }
0x2d: {  	_ =	sdelay $0x1  }
0x2e: {  	v3 =	vmul.u32 $0x186A0, v0  }
0x2f: {  	s13 =	sadd.s32 $0x10, s13;
	s14 =	sand.u32 $0xFE00, s12;
	s12 =	sadd.s32 $0x40, s12;
	v2 =	vadd.s32 $0x10, v0  }
0x30: {  	s12 =	sand.u32 $0x70, s13;
	s16 =	sshrl.u32 s14, $0x2;
	v1 =	vadd.s32 v3, v1  }
0x31: {  	s12 =	sor.u32 s12, s16;
	[tilespmem:s11+$0x0] =	vst v1  }
0x32: {  	v1 =	vld [tilespmem:s12+$0x0]  }
0x33: {  	vm0 =	vgt.s32 v2, $0x19;
	v0 =	vadd.s32 $0xFFFFFFF6, v0  }
0x34: {  	v0 =	vsel vm0, v0, v2  }
0x35: {  	v0 =	vmul.u32 $0x186A0, v0;
	_ =	sdelay $0x1  }
0x36: {  	v0 =	vadd.s32 v0, v1  }
0x37: {  	[tilespmem:s12+$0x0] =	vst v0;
	s12 =	simm.s32 $0x0  }
0x38: {  	[tilespmem:s17], [sflag:$0x1] =	stream.indirect.gather [hbm4b:s3+s15], $0x40, s12, s15, $0xb8;
	[tilespmem:$0x13400] =	vst v63  }
0x39: {  	_ = 	snop  }
0x3a: {  	[tilespmem:s19], [sflag:$0x2] =	stream.indirect.gather [hbm4b:s3+s15], $0x40, s15, s15, $0xb8;
	[tilespmem:$0x13400] =	vst v63  }
0x3b: {  	s13 =	simm.s32 $0x100  }
0x3c: {  	[tilespmem:s21], [sflag:$0x3] =	stream.indirect.gather [hbm4b:s3+s15], $0x40, s13, s15, $0xb8;
	[tilespmem:$0x13400] =	vst v63  }
0x3d: {  	s14 =	simm.s32 $0x180  }
0x3e: {  	[tilespmem:s23], [sflag:$0x4] =	stream.indirect.gather [hbm4b:s3+s15], $0x40, s14, s15, $0xb8;
	[tilespmem:$0x13400] =	vst v63  }
0x3f: {  	s16 =	simm.s32 $0x200  }
0x40: {  	[tilespmem:s25], [sflag:$0x5] =	stream.indirect.gather [hbm4b:s3+s15], $0x40, s16, s15, $0xb8;
	[tilespmem:$0x13400] =	vst v63  }
0x41: {  	s12 =	simm.s32 $0x280  }
0x42: {  	[tilespmem:s28], [sflag:$0x6] =	stream.indirect.gather [hbm4b:s3+s15], $0x40, s12, s15, $0xb8;
	[tilespmem:$0x13400] =	vst v63  }
0x43: {  	s13 =	simm.s32 $0x300  }
0x44: {  	[tilespmem:s30], [sflag:$0x7] =	stream.indirect.gather [hbm4b:s3+s15], $0x40, s13, s15, $0xb8;
	[tilespmem:$0x13400] =	vst v63  }
0x45: {  	s14 =	simm.s32 $0x380;
	s16 =	simm.s32 $0x11400  }
0x46: {  	[tilespmem:s16], [sflag:$0x8] =	stream.indirect.gather [hbm4b:s3+s15], $0x40, s14, s15, $0xb8;
	[tilespmem:$0x13400] =	vst v63  }
0x47: {  	_ =	swait.ge [sflag:s31], $0x2000  }
0x48: {  	s12 =	rddreg [dreg:$0x4];
	[sflag:s31] =	ssyncset.done $0x0  }
0x49: {  	[sflag:s31] =	ssyncadd.s32 $0xFFFFE000;
	s11 =	sadd.s32 $0x0, s12  }
0x4a: {  	[hbm4b:s11+s2] =	stream.linear.scatter [tilespmem:s17], [sflag:$0x9], $0x2000, $0x38;
	[tilespmem:$0x13400] =	vst v63  }
0x4b: {  	_ =	swait.ge [sflag:s1], $0x2000  }
0x4c: {  	s13 =	rddreg [dreg:$0xb];
	[sflag:s1] =	ssyncset.done $0x0  }
0x4d: {  	[sflag:s1] =	ssyncadd.s32 $0xFFFFE000;
	s11 =	sadd.s32 $0x0, s13  }
0x4e: {  	[hbm4b:s11+s2] =	stream.linear.scatter [tilespmem:s19], [sflag:$0xA], $0x2000, $0x38;
	[tilespmem:$0x13400] =	vst v63  }
0x4f: {  	_ =	swait.ge [sflag:s0], $0x2000  }
0x50: {  	s14 =	rddreg [dreg:$0xa];
	[sflag:s0] =	ssyncset.done $0x0  }
0x51: {  	[sflag:s0] =	ssyncadd.s32 $0xFFFFE000;
	s11 =	sadd.s32 $0x0, s14  }
0x52: {  	[hbm4b:s11+s2] =	stream.linear.scatter [tilespmem:s21], [sflag:$0xB], $0x2000, $0x38;
	[tilespmem:$0x13400] =	vst v63  }
0x53: {  	_ =	swait.ge [sflag:s18], $0x2000  }
0x54: {  	s12 =	rddreg [dreg:$0x9];
	[sflag:s18] =	ssyncset.done $0x0  }
0x55: {  	[sflag:s18] =	ssyncadd.s32 $0xFFFFE000;
	s11 =	sadd.s32 $0x0, s12  }
0x56: {  	[hbm4b:s11+s2] =	stream.linear.scatter [tilespmem:s23], [sflag:$0xC], $0x2000, $0x38;
	[tilespmem:$0x13400] =	vst v63  }
0x57: {  	_ =	swait.ge [sflag:s20], $0x2000  }
0x58: {  	s13 =	rddreg [dreg:$0x8];
	[sflag:s20] =	ssyncset.done $0x0  }
0x59: {  	[sflag:s20] =	ssyncadd.s32 $0xFFFFE000;
	s11 =	sadd.s32 $0x0, s13  }
0x5a: {  	[hbm4b:s11+s2] =	stream.linear.scatter [tilespmem:s25], [sflag:$0xD], $0x2000, $0x38;
	[tilespmem:$0x13400] =	vst v63  }
0x5b: {  	_ =	swait.ge [sflag:s22], $0x2000  }
0x5c: {  	s14 =	rddreg [dreg:$0x7];
	[sflag:s22] =	ssyncset.done $0x0  }
0x5d: {  	[sflag:s22] =	ssyncadd.s32 $0xFFFFE000;
	s11 =	sadd.s32 $0x0, s14  }
0x5e: {  	[hbm4b:s11+s2] =	stream.linear.scatter [tilespmem:s28], [sflag:$0xE], $0x2000, $0x38;
	[tilespmem:$0x13400] =	vst v63  }
0x5f: {  	_ =	swait.ge [sflag:s24], $0x2000  }
0x60: {  	s12 =	rddreg [dreg:$0x6];
	[sflag:s24] =	ssyncset.done $0x0  }
0x61: {  	[sflag:s24] =	ssyncadd.s32 $0xFFFFE000;
	s11 =	sadd.s32 $0x0, s12  }
0x62: {  	[hbm4b:s11+s2] =	stream.linear.scatter [tilespmem:s30], [sflag:$0xF], $0x2000, $0x38;
	[tilespmem:$0x13400] =	vst v63  }
0x63: {  	_ =	swait.ge [sflag:s26], $0x2000  }
0x64: {  	s13 =	rddreg [dreg:$0x5];
	[sflag:s26] =	ssyncset.done $0x0  }
0x65: {  	[sflag:s26] =	ssyncadd.s32 $0xFFFFE000;
	s11 =	sadd.s32 $0x0, s13  }
0x66: {  	[hbm4b:s11+s2] =	stream.linear.scatter [tilespmem:s16], [sflag:$0x10], $0x2000, $0x38;
	[tilespmem:$0x13400] =	vst v63  }
0x67: {  	_ =	swait.ge [sflag:s29], $0x2000  }
0x68: {  	[sflag:s29] =	ssyncset.done $0x0  }
0x69: {  	s14 =	simm.s32 $0x400;
	[sflag:s29] =	ssyncadd.s32 $0xFFFFE000  }
0x6a: {  	[tilespmem:s17], [sflag:$0x1] =	stream.indirect.gather [hbm4b:s3+s15], $0x40, s14, s15, $0xb8;
	[tilespmem:$0x13400] =	vst v63  }
0x6b: {  	_ =	swait.ge [sflag:s4], $0x2000  }
0x6c: {  	[sflag:s4] =	ssyncset.done $0x0  }
0x6d: {  	s12 =	simm.s32 $0x480;
	[sflag:s4] =	ssyncadd.s32 $0xFFFFE000  }
0x6e: {  	[tilespmem:s19], [sflag:$0x2] =	stream.indirect.gather [hbm4b:s3+s15], $0x40, s12, s15, $0xb8;
	[tilespmem:$0x13400] =	vst v63  }
0x6f: {  	_ =	swait.ge [sflag:s5], $0x2000  }
0x70: {  	[sflag:s5] =	ssyncset.done $0x0  }
0x71: {  	s13 =	simm.s32 $0x500;
	[sflag:s5] =	ssyncadd.s32 $0xFFFFE000  }
0x72: {  	[tilespmem:s21], [sflag:$0x3] =	stream.indirect.gather [hbm4b:s3+s15], $0x40, s13, s15, $0xb8;
	[tilespmem:$0x13400] =	vst v63  }
0x73: {  	_ =	swait.ge [sflag:s6], $0x2000  }
0x74: {  	[sflag:s6] =	ssyncset.done $0x0  }
0x75: {  	s14 =	simm.s32 $0x580;
	[sflag:s6] =	ssyncadd.s32 $0xFFFFE000  }
0x76: {  	[tilespmem:s23], [sflag:$0x4] =	stream.indirect.gather [hbm4b:s3+s15], $0x40, s14, s15, $0xb8;
	[tilespmem:$0x13400] =	vst v63  }
0x77: {  	_ =	swait.ge [sflag:s7], $0x2000  }
0x78: {  	[sflag:s7] =	ssyncset.done $0x0  }
0x79: {  	s12 =	simm.s32 $0x600;
	[sflag:s7] =	ssyncadd.s32 $0xFFFFE000  }
0x7a: {  	[tilespmem:s25], [sflag:$0x5] =	stream.indirect.gather [hbm4b:s3+s15], $0x40, s12, s15, $0xb8;
	[tilespmem:$0x13400] =	vst v63  }
0x7b: {  	_ =	swait.ge [sflag:s8], $0x2000  }
0x7c: {  	[sflag:s8] =	ssyncset.done $0x0  }
0x7d: {  	s13 =	simm.s32 $0x680;
	[sflag:s8] =	ssyncadd.s32 $0xFFFFE000  }
0x7e: {  	[tilespmem:s28], [sflag:$0x6] =	stream.indirect.gather [hbm4b:s3+s15], $0x40, s13, s15, $0xb8;
	[tilespmem:$0x13400] =	vst v63  }
0x7f: {  	_ =	swait.ge [sflag:s9], $0x2000  }
0x80: {  	[sflag:s9] =	ssyncset.done $0x0  }
0x81: {  	s14 =	simm.s32 $0x700;
	[sflag:s9] =	ssyncadd.s32 $0xFFFFE000  }
0x82: {  	[tilespmem:s30], [sflag:$0x7] =	stream.indirect.gather [hbm4b:s3+s15], $0x40, s14, s15, $0xb8;
	[tilespmem:$0x13400] =	vst v63  }
0x83: {  	_ =	swait.ge [sflag:s10], $0x2000  }
0x84: {  	s12 =	simm.s32 $0x780;
	[sflag:s10] =	ssyncset.done $0x0  }
0x85: {  	s13 =	simm.s32 $0x2000;
	s14 =	simm.s32 $0xB80;
	[sflag:s10] =	ssyncadd.s32 $0xFFFFE000  }
.LBB2_4:
0x86: {  	[tilespmem:s16], [sflag:$0x8] =	stream.indirect.gather [hbm4b:s3+s15], $0x40, s12, s15, $0xb8;
	[tilespmem:$0x13400] =	vst v63  }
0x87: {  	_ =	swait.ge [sflag:s31], $0x2000  }
0x88: {  	s11 =	smov.u32 s13;
	s16 =	rddreg [dreg:$0x4];
	[sflag:s31] =	ssyncset.done $0x0  }
0x89: {  	[sflag:s31] =	ssyncadd.s32 $0xFFFFE000;
	s16 =	sadd.s32 s11, s16  }
0x8a: {  	[hbm4b:s16+s2] =	stream.linear.scatter [tilespmem:s17], [sflag:$0x9], $0x2000, $0x38;
	[tilespmem:$0x13400] =	vst v63  }
0x8b: {  	_ =	swait.ge [sflag:s1], $0x2000  }
0x8c: {  	s16 =	rddreg [dreg:$0xb];
	[sflag:s1] =	ssyncset.done $0x0  }
0x8d: {  	[sflag:s1] =	ssyncadd.s32 $0xFFFFE000;
	s16 =	sadd.s32 s11, s16  }
0x8e: {  	[hbm4b:s16+s2] =	stream.linear.scatter [tilespmem:s19], [sflag:$0xA], $0x2000, $0x38;
	[tilespmem:$0x13400] =	vst v63  }
0x8f: {  	_ =	swait.ge [sflag:s0], $0x2000  }
0x90: {  	s16 =	rddreg [dreg:$0xa];
	[sflag:s0] =	ssyncset.done $0x0  }
0x91: {  	[sflag:s0] =	ssyncadd.s32 $0xFFFFE000;
	s16 =	sadd.s32 s11, s16  }
0x92: {  	[hbm4b:s16+s2] =	stream.linear.scatter [tilespmem:s21], [sflag:$0xB], $0x2000, $0x38;
	[tilespmem:$0x13400] =	vst v63  }
0x93: {  	_ =	swait.ge [sflag:s18], $0x2000  }
0x94: {  	s16 =	rddreg [dreg:$0x9];
	[sflag:s18] =	ssyncset.done $0x0  }
0x95: {  	[sflag:s18] =	ssyncadd.s32 $0xFFFFE000;
	s16 =	sadd.s32 s11, s16  }
0x96: {  	[hbm4b:s16+s2] =	stream.linear.scatter [tilespmem:s23], [sflag:$0xC], $0x2000, $0x38;
	[tilespmem:$0x13400] =	vst v63  }
0x97: {  	_ =	swait.ge [sflag:s20], $0x2000  }
0x98: {  	s16 =	rddreg [dreg:$0x8];
	[sflag:s20] =	ssyncset.done $0x0  }
0x99: {  	[sflag:s20] =	ssyncadd.s32 $0xFFFFE000;
	s16 =	sadd.s32 s11, s16  }
0x9a: {  	[hbm4b:s16+s2] =	stream.linear.scatter [tilespmem:s25], [sflag:$0xD], $0x2000, $0x38;
	[tilespmem:$0x13400] =	vst v63  }
0x9b: {  	_ =	swait.ge [sflag:s22], $0x2000  }
0x9c: {  	s16 =	rddreg [dreg:$0x7];
	[sflag:s22] =	ssyncset.done $0x0  }
0x9d: {  	[sflag:s22] =	ssyncadd.s32 $0xFFFFE000;
	s16 =	sadd.s32 s11, s16  }
0x9e: {  	[hbm4b:s16+s2] =	stream.linear.scatter [tilespmem:s28], [sflag:$0xE], $0x2000, $0x38;
	[tilespmem:$0x13400] =	vst v63  }
0x9f: {  	_ =	swait.ge [sflag:s24], $0x2000  }
0xa0: {  	s16 =	rddreg [dreg:$0x6];
	[sflag:s24] =	ssyncset.done $0x0  }
0xa1: {  	[sflag:s24] =	ssyncadd.s32 $0xFFFFE000;
	s16 =	sadd.s32 s11, s16  }
0xa2: {  	[hbm4b:s16+s2] =	stream.linear.scatter [tilespmem:s30], [sflag:$0xF], $0x2000, $0x38;
	[tilespmem:$0x13400] =	vst v63  }
0xa3: {  	_ =	swait.ge [sflag:s26], $0x2000  }
0xa4: {  	s16 =	rddreg [dreg:$0x5];
	[sflag:s26] =	ssyncset.done $0x0  }
0xa5: {  	[sflag:s26] =	ssyncadd.s32 $0xFFFFE000;
	s11 =	sadd.s32 s11, s16;
	s16 =	simm.s32 $0x11400  }
0xa6: {  	[hbm4b:s11+s2] =	stream.linear.scatter [tilespmem:s16], [sflag:$0x10], $0x2000, $0x38;
	[tilespmem:$0x13400] =	vst v63  }
0xa7: {  	_ =	swait.ge [sflag:s29], $0x2000  }
0xa8: {  	[sflag:s29] =	ssyncset.done $0x0  }
0xa9: {  	s11 =	sadd.s32 $0xFFFFFC80, s14;
	[sflag:s29] =	ssyncadd.s32 $0xFFFFE000  }
0xaa: {  	[tilespmem:s17], [sflag:$0x1] =	stream.indirect.gather [hbm4b:s3+s15], $0x40, s11, s15, $0xb8;
	[tilespmem:$0x13400] =	vst v63  }
0xab: {  	_ =	swait.ge [sflag:s4], $0x2000  }
0xac: {  	[sflag:s4] =	ssyncset.done $0x0  }
0xad: {  	s11 =	sadd.s32 $0xFFFFFD00, s14;
	[sflag:s4] =	ssyncadd.s32 $0xFFFFE000  }
0xae: {  	[tilespmem:s19], [sflag:$0x2] =	stream.indirect.gather [hbm4b:s3+s15], $0x40, s11, s15, $0xb8;
	[tilespmem:$0x13400] =	vst v63  }
0xaf: {  	_ =	swait.ge [sflag:s5], $0x2000  }
0xb0: {  	[sflag:s5] =	ssyncset.done $0x0  }
0xb1: {  	s11 =	sadd.s32 $0xFFFFFD80, s14;
	[sflag:s5] =	ssyncadd.s32 $0xFFFFE000  }
0xb2: {  	[tilespmem:s21], [sflag:$0x3] =	stream.indirect.gather [hbm4b:s3+s15], $0x40, s11, s15, $0xb8;
	[tilespmem:$0x13400] =	vst v63  }
0xb3: {  	_ =	swait.ge [sflag:s6], $0x2000  }
0xb4: {  	[sflag:s6] =	ssyncset.done $0x0  }
0xb5: {  	s11 =	sadd.s32 $0xFFFFFE00, s14;
	[sflag:s6] =	ssyncadd.s32 $0xFFFFE000  }
0xb6: {  	[tilespmem:s23], [sflag:$0x4] =	stream.indirect.gather [hbm4b:s3+s15], $0x40, s11, s15, $0xb8;
	[tilespmem:$0x13400] =	vst v63  }
0xb7: {  	_ =	swait.ge [sflag:s7], $0x2000  }
0xb8: {  	[sflag:s7] =	ssyncset.done $0x0  }
0xb9: {  	s11 =	sadd.s32 $0xFFFFFE80, s14;
	[sflag:s7] =	ssyncadd.s32 $0xFFFFE000  }
0xba: {  	[tilespmem:s25], [sflag:$0x5] =	stream.indirect.gather [hbm4b:s3+s15], $0x40, s11, s15, $0xb8;
	[tilespmem:$0x13400] =	vst v63  }
0xbb: {  	_ =	swait.ge [sflag:s8], $0x2000  }
0xbc: {  	[sflag:s8] =	ssyncset.done $0x0  }
0xbd: {  	s11 =	sadd.s32 $0xFFFFFF00, s14;
	[sflag:s8] =	ssyncadd.s32 $0xFFFFE000  }
0xbe: {  	[tilespmem:s28], [sflag:$0x6] =	stream.indirect.gather [hbm4b:s3+s15], $0x40, s11, s15, $0xb8;
	[tilespmem:$0x13400] =	vst v63  }
0xbf: {  	_ =	swait.ge [sflag:s9], $0x2000  }
0xc0: {  	p0 =	sne.s32 s13, $0x16000;
	[sflag:s9] =	ssyncset.done $0x0  }
.Ltmp1:
0xc1: {  	s11 =	sadd.s32 $0xFFFFFF80, s14;
	[sflag:s9] =	ssyncadd.s32 $0xFFFFE000;
	(pc) =	sbr.rel @p0 .LBB2_4-.Ltmp1, $4  }
0xc2: {  	[tilespmem:s30], [sflag:$0x7] =	stream.indirect.gather [hbm4b:s3+s15], $0x40, s11, s15, $0xb8;
	[tilespmem:$0x13400] =	vst v63  }
0xc3: {  	_ =	swait.ge [sflag:s10], $0x2000  }
0xc4: {  	s12 =	smov.u32 s14;
	[sflag:s10] =	ssyncset.done $0x0  }
0xc5: {  	s13 =	sadd.s32 $0x2000, s13;
	s14 =	sadd.s32 $0x400, s14;
	[sflag:s10] =	ssyncadd.s32 $0xFFFFE000  }
0xc6: {  	[tilespmem:s16], [sflag:$0x8] =	stream.indirect.gather [hbm4b:s3+s15], $0x40, s12, s15, $0xb8;
	[tilespmem:$0x13400] =	vst v63  }
0xc7: {  	_ =	swait.ge [sflag:s31], $0x2000  }
0xc8: {  	[sflag:s31] =	ssyncset.done $0x0  }
0xc9: {  	s11 =	rddreg [dreg:$0xd];
	[sflag:s31] =	ssyncadd.s32 $0xFFFFE000  }
0xca: {  	[hbm4b:s11+s2] =	stream.linear.scatter [tilespmem:s17], [sflag:$0x9], $0x2000, $0x38;
	[tilespmem:$0x13400] =	vst v63  }
0xcb: {  	_ =	swait.ge [sflag:s1], $0x2000  }
0xcc: {  	[sflag:s1] =	ssyncset.done $0x0  }
0xcd: {  	s13 =	rddreg [dreg:$0xe];
	[sflag:s1] =	ssyncadd.s32 $0xFFFFE000  }
0xce: {  	[hbm4b:s13+s2] =	stream.linear.scatter [tilespmem:s19], [sflag:$0xA], $0x2000, $0x38;
	[tilespmem:$0x13400] =	vst v63  }
0xcf: {  	_ =	swait.ge [sflag:s0], $0x2000  }
0xd0: {  	[sflag:s0] =	ssyncset.done $0x0  }
0xd1: {  	s14 =	rddreg [dreg:$0xf];
	[sflag:s0] =	ssyncadd.s32 $0xFFFFE000  }
0xd2: {  	[hbm4b:s14+s2] =	stream.linear.scatter [tilespmem:s21], [sflag:$0xB], $0x2000, $0x38;
	[tilespmem:$0x13400] =	vst v63  }
0xd3: {  	_ =	swait.ge [sflag:s18], $0x2000  }
0xd4: {  	[sflag:s18] =	ssyncset.done $0x0  }
0xd5: {  	s12 =	rddreg [dreg:$0x10];
	[sflag:s18] =	ssyncadd.s32 $0xFFFFE000  }
0xd6: {  	[hbm4b:s12+s2] =	stream.linear.scatter [tilespmem:s23], [sflag:$0xC], $0x2000, $0x38;
	[tilespmem:$0x13400] =	vst v63  }
0xd7: {  	_ =	swait.ge [sflag:s20], $0x2000  }
0xd8: {  	[sflag:s20] =	ssyncset.done $0x0  }
0xd9: {  	s13 =	rddreg [dreg:$0x11];
	[sflag:s20] =	ssyncadd.s32 $0xFFFFE000  }
0xda: {  	[hbm4b:s13+s2] =	stream.linear.scatter [tilespmem:s25], [sflag:$0xD], $0x2000, $0x38;
	[tilespmem:$0x13400] =	vst v63  }
0xdb: {  	_ =	swait.ge [sflag:s22], $0x2000  }
0xdc: {  	[sflag:s22] =	ssyncset.done $0x0  }
0xdd: {  	s14 =	rddreg [dreg:$0x12];
	[sflag:s22] =	ssyncadd.s32 $0xFFFFE000  }
0xde: {  	[hbm4b:s14+s2] =	stream.linear.scatter [tilespmem:s28], [sflag:$0xE], $0x2000, $0x38;
	[tilespmem:$0x13400] =	vst v63  }
0xdf: {  	_ =	swait.ge [sflag:s24], $0x2000  }
0xe0: {  	[sflag:s24] =	ssyncset.done $0x0  }
0xe1: {  	s12 =	rddreg [dreg:$0x13];
	[sflag:s24] =	ssyncadd.s32 $0xFFFFE000  }
0xe2: {  	[hbm4b:s12+s2] =	stream.linear.scatter [tilespmem:s30], [sflag:$0xF], $0x2000, $0x38;
	[tilespmem:$0x13400] =	vst v63  }
0xe3: {  	_ =	swait.ge [sflag:s26], $0x2000  }
0xe4: {  	[sflag:s26] =	ssyncset.done $0x0  }
0xe5: {  	s13 =	rddreg [dreg:$0x14];
	[sflag:s26] =	ssyncadd.s32 $0xFFFFE000  }
0xe6: {  	[hbm4b:s13+s2] =	stream.linear.scatter [tilespmem:s16], [sflag:$0x10], $0x2000, $0x38;
	[tilespmem:$0x13400] =	vst v63  }
0xe7: {  	_ =	swait.ge [sflag:s29], $0x2000  }
0xe8: {  	[sflag:s29] =	ssyncset.done $0x0  }
0xe9: {  	[sflag:s29] =	ssyncadd.s32 $0xFFFFE000  }
0xea: {  	_ =	swait.ge [sflag:s4], $0x2000  }
0xeb: {  	[sflag:s4] =	ssyncset.done $0x0  }
0xec: {  	[sflag:s4] =	ssyncadd.s32 $0xFFFFE000  }
0xed: {  	_ =	swait.ge [sflag:s5], $0x2000  }
0xee: {  	[sflag:s5] =	ssyncset.done $0x0  }
0xef: {  	[sflag:s5] =	ssyncadd.s32 $0xFFFFE000  }
0xf0: {  	_ =	swait.ge [sflag:s6], $0x2000  }
0xf1: {  	[sflag:s6] =	ssyncset.done $0x0  }
0xf2: {  	[sflag:s6] =	ssyncadd.s32 $0xFFFFE000  }
0xf3: {  	_ =	swait.ge [sflag:s7], $0x2000  }
0xf4: {  	[sflag:s7] =	ssyncset.done $0x0  }
0xf5: {  	[sflag:s7] =	ssyncadd.s32 $0xFFFFE000  }
0xf6: {  	_ =	swait.ge [sflag:s8], $0x2000  }
0xf7: {  	[sflag:s8] =	ssyncset.done $0x0  }
0xf8: {  	[sflag:s8] =	ssyncadd.s32 $0xFFFFE000  }
0xf9: {  	_ =	swait.ge [sflag:s9], $0x2000  }
0xfa: {  	[sflag:s9] =	ssyncset.done $0x0  }
0xfb: {  	[sflag:s9] =	ssyncadd.s32 $0xFFFFE000  }
0xfc: {  	_ =	swait.ge [sflag:s10], $0x2000  }
0xfd: {  	s14 =	rddreg [dreg:$0x16]  }
0xfe: {  	s16 =	rddreg [dreg:$0x15];
	s12 =	sadd.s32 $0x1, s14  }
0xff: {  	p0 =	sne.s32 s12, s16  }
.Ltmp2:
0x100: {  	_ = 	snop;
	(pc) =	sbr.rel @p0 .LBB2_1-.Ltmp2, $3  }
0x101: {  	_ =	sdelay $0x1  }
0x102: {  	[sflag:s10] =	ssyncset.done $0x0  }
0x103: {  	[sflag:s10] =	ssyncadd.s32 $0xFFFFE000  }
0x104: {  	_ =	sfence.sel $0x180000  }
0x105: {  	[bflag:$0x0] =	sbarrier.arrive $0xFFFF  }
0x106: {  	_ =	strace $0x90000047  }
0x107: {  	s0 =	stileid.u32;
	[bflag:$0x2] =	sbarrier.arrive $0xFFFF  }
0x108: {  	p0 =	sne.s32 s0, $0x0;
	s0 =	rddreg [dreg:$0x3]  }
0x109: {  	s0 =	sadd.s32 @!p0 $0x100000, s0  }
0x10a: {  	[sflag:s0] =	ssyncadd.tile.s32 @!p0 $0x1;
	_ =	shalt  }
.Lfunc_end2:
_tile_overlayer_lowered:
.L_overlay_start_2:
0x10b: {  	(tag) =	ssettag $0x2  }
0x10c: {  	s0 =	rddreg [dreg:$0x0];
	s2 =	stileid.u32  }
0x10d: {  	s1 =	rddreg [dreg:$0x1];
	p0 =	sne.s32 s2, $0x0  }
0x10e: {  	s3 =	rddreg [dreg:$0x2];
	[bflag:$0x3] =	sbarrier.arrive $0xFFFF;
	s2 =	simm.s32 @!p0 $0x1C11  }
0x10f: {  	[timem:s3], [sflag:s2] =	dma.local @!p0 [hbm:s0], s1  }
0x110: {  	s0 =	simm.s32 @!p0 $0x11  }
0x111: {  	_ =	swait.ge @!p0 [sflag:s0], s1  }
0x112: {  	s1 =	ssub.s32 @!p0 $0x0, s1;
	[sflag:s0] =	ssyncset.done @!p0 $0x0  }
0x113: {  	[sflag:s0] =	ssyncadd.s32 @!p0 s1  }
0x114: {  	[bflag:$0x3] =	sbarrier.arrive $0xFFFF  }
0x115: {  	_ =	shalt  }

// kernel: sparse-core-data-format-call.cloned.1.call-start
scs
called_computation_lowered:
.L_overlay_start_0:
0x0: {  	s2 =	sld [smem:$0x3FD9]  }
0x1: {  	s3 =	sld [smem:$0x3FFE];
	_ =	sdelay $0x1  }
0x2: {  	s1 =	srdreg.scid  }
0x3: {  	s0 =	sand.u32 $0x1, s1  }
0x4: {  	s18 =	sshll.u32 s0, $0xA;
	s2 =	sadd.s32 s3, s2  }
0x5: {  	s2 =	sadd.s32 s2, s18  }
0x6: {  	[smem:$0x3FC6] =	sst s2  }
0x7: {  	_ = 	snop  }
0x8: {  	s2 =	sld [smem:$0x3FD0];
	(tm) =	ssettm $0x1  }
0x9: {  	s19 =	sld [smem:$0x3FFB];
	_ =	sdelay $0x3  }
0xa: {  	_ =	strace s19  }
0xb: {  	s3 =	sld [smem:$0x3FFC];
	_ =	sdelay $0x3  }
0xc: {  	_ =	strace s3  }
0xd: {  	s3 =	sld [smem:$0x3FFD];
	_ =	sdelay $0x3  }
0xe: {  	_ =	strace s3  }
0xf: {  	_ =	strace $0x8FFFFFFF  }
0x10: {  	s20 =	sld [smem:$0x3FDB];
	_ =	sdelay $0x1  }
0x11: {  	s4 =	simm.s32 $_scs_section_size  }
0x12: {  	s5 =	simm.s32 $_size__tile_overlayer_lowered;
	s6 =	simm.s32 $_tile_overlayer_lowered  }
0x13: {  	s23 =	simm.s32 $0x1BFF;
	s22 =	sshll.u32 s6, $0x1;
	s3 =	sadd.s32 s4, s20  }
0x14: {  	s7 =	simm.s32 $0x0;
	s21 =	sshll.u32 s5, $0x1;
	s5 =	sadd.s32 s22, s3  }
0x15: {  	[timem:s7], [sflag:s23] =	dma.local [hbm:s5], s21  }
0x16: {  	_ =	swait.ge [sflag:s23], s21  }
0x17: {  	s4 =	ssub.s32 $0x0, s21;
	[sflag:s23] =	ssyncset.done $0x0  }
0x18: {  	[sflag:s23] =	ssyncadd.s32 s4;
	_ =	sdelay $0x1  }
0x19: {  	s24 =	simm.s32 $0x1B8B  }
0x1a: {  	_ =	swait.ge [sflag:s24], $0x1  }
0x1b: {  	[sflag:s24] =	ssyncset.done $0x0  }
0x1c: {  	s26 =	simm.s32 $0x1B8E;
	s25 =	sld [smem:$0x3FFE];
	[sflag:s24] =	ssyncadd.s32 $0xFFFFFFFF  }
0x1d: {  	s27 =	simm.s32 $execute0_lowered;
	[smem:$0x3FD2] =	sst s26  }
0x1e: {  	s5 =	sshll.u32 s27, $0x1;
	_ =	strace $0x80000049;
	[dreg:$0x1] =	wrdreg $0xFFFFFFFF  }
0x1f: {  	s28 =	simm.s32 $_size_execute0_lowered;
	s3 =	sadd.s32 s3, s5;
	[dreg:$0x0] =	wrdreg $0x0  }
0x20: {  	s5 =	sshll.u32 s28, $0x1;
	[dreg:$0x2] =	wrdreg s3  }
0x21: {  	[dreg:$0x3] =	wrdreg s5  }
0x22: {  	[dreg:$0x4] =	wrdreg $0xC0  }
0x23: {  	_ =	task [dreg:s7], $0x5FFFF  }
0x24: {  	[dreg:$0x1] =	wrdreg $0xFFFFFFFF  }
0x25: {  	[dreg:$0x0] =	wrdreg $0x60  }
0x26: {  	[dreg:$0x2] =	wrdreg s25  }
0x27: {  	[dreg:$0x3] =	wrdreg s2  }
0x28: {  	[dreg:$0x4] =	wrdreg $0x9  }
0x29: {  	_ =	task.clear_ibuf [dreg:s7], $0x5FFFF;
	_ =	strace $0x90000049  }
0x2a: {  	s29 =	simm.s32 $0x9;
	_ =	strace $0x8000004B  }
0x2b: {  	_ =	swait.ge [sflag:s29], $0x1  }
0x2c: {  	[sflag:s29] =	ssyncadd.s32 $0xFFFFFFFF  }
0x2d: {  	_ =	strace $0x9000004B  }
0x2e: {  	_ =	sfence  }
0x2f: {  	s30 =	sld [smem:$0x0];
	_ =	sdelay $0x2  }
0x30: {  	s31 =	sshll.u32 s1, $0xD;
	s1 =	sshrl.u32 s1, $0x2  }
0x31: {  	s3 =	sand.u32 $0x4000, s31;
	s1 =	sadd.s32 s1, s30  }
0x32: {  	s0 =	sor.u32 s3, s0;
	s1 =	sshll.u32 s1, $0x11  }
0x33: {  	s0 =	sor.u32 s1, s0  }
0x34: {  	s0 =	sadd.s32 $0x8F2B, s0  }
0x35: {  	[sflag:s0] =	ssyncadd.remote.s32 $0x1  }
0x36: {  	_ =	sfence.sel $0xFFFF  }
0x37: {  	[dreg:$0x0] =	wrdreg $0xFFFFFFFF;
	(pc) =	sbr.abs _section_cstart, $3  }
0x38: {  	[dreg:$0x1] =	wrdreg $0xFFFFFFFF  }
0x39: {  	_ =	task.clear_ibuf [dreg:s7], $0x2FFFF;
	_ =	strace $0x9FFFFFFF  }
0x3a: {  	(tm) =	ssettm $0x7FFFFFFF  }
0x3b: {  	_ =	shalt  }
tec
execute0_lowered:
.L_overlay_start_1:
0x0: {  	(tag) =	ssettag $0x1  }
0x1: {  	s0 =	srdreg.scid  }
0x2: {  	s1 =	sshll.u32 s0, $0x4  }
0x3: {  	s4 =	rddreg [dreg:$0x0];
	s0 =	stileid.u32;
	s1 =	sand.u32 $0x10, s1  }
0x4: {  	s2 =	rddreg [dreg:$0x1];
	s7 =	simm.s32 $0x1;
	s1 =	sor.u32 s0, s1  }
0x5: {  	s8 =	simm.s32 $0x2;
	s11 =	simm.s32 $0x0;
	s3 =	sshll.u32 s1, $0x7  }
0x6: {  	s10 =	simm.s32 $0x0;
	s4 =	sadd.s32 $0x800, s4;
	s6 =	ssub.s32 $0x68000, s3  }
.Ltmp0:
0x7: {  	s1 =	rddreg [dreg:$0x2];
	s5 =	sand.u32 $0xF80, s6;
	(pc) =	sbr.rel .LBB1_1-.Ltmp0, $4  }
0x8: {  	_ =	strace $0x8000004A;
	s9 =	smov.u32 s3;
	p0 =	sne.s32 s5, $0x0  }
0x9: {  	s6 =	sshrl.u32 s6, $0xC;
	s5 =	simm.s32 $0x1;
	s7 =	simm.s32 @!p0 $0x0  }
0xa: {  	[sflag:s5] =	ssyncpa.u1 $0x0;
	p0 =	por $0x0, $0x0;
	s6 =	sadd.s32 s7, s6  }
0xb: {  	[sflag:s8] =	ssyncpa.u1 $0x0;
	s8 =	simm.s32 $0x340000;
	s7 =	sadd.s32 $0x1, s6  }
.LBB1_4:
0xc: {  	s14 =	sshll.u32 s11, $0x3  }
0xd: {  	s30 =	sand.u32 $0x7F, s11;
	s15 =	sand.u32 $0xFFFFFC00, s14  }
0xe: {  	s11 =	sor.u32 s30, s15  }
0xf: {  	s15 =	smulhi.u32 $0x4EC4EC4F, s11  }
0x10: {  	s14 =	smulhi.u32 $0x4EC4EC4F, s14  }
0x11: {  	s15 =	sshrl.u32 s15, $0x11  }
0x12: {  	s14 =	sshrl.u32 s14, $0x11;
	s15 =	smul.u32 $0x68000, s15  }
0x13: {  	s14 =	sand.u32 $0x3F, s14  }
0x14: {  	s14 =	smul.u32 $0xD000, s14;
	s11 =	ssub.s32 s11, s15  }
0x15: {  	[tilespmem:s13+$0x810 ss:$0x81] =	vst.msk $0xffff, v2;
	s15 =	sand.u32 $0x7, s11  }
0x16: {  	[tilespmem:s13+$0x1020 ss:$0x81] =	vst.msk $0xffff, v0;
	s14 =	sadd.s32 s2, s14;
	s11 =	sshrl.u32 s11, $0x3;
	s15 =	sshll.u32 s15, $0x12  }
0x17: {  	[tilespmem:s13+$0x0 ss:$0x81] =	vst.msk $0xffff, v1;
	s11 =	sadd.s32 s11, s14;
	s31 =	sor.u32 $0x400, s15  }
0x18: {  	[hbm4b:s11+s31] =	stream.strided.scatter [tilespmem:s12], [sflag:$0x2], $0x2000, s8, s31, $0x20;
	[tilespmem:$0x8080] =	vst v63  }
.LBB1_5:
0x19: {  	s13 =	sadd.s32 $0x1000, s9  }
0x1a: {  	p2 =	sgt.s32 s13, $0x67FFF  }
0x1b: {  	s13 =	smov.u32 @p2 s3;
	p2 =	sne.s32 s10, s7  }
.Ltmp1:
0x1c: {  	p1 =	slt.u32 s10, $0x2;
	(pc) =	sbr.rel @!p2 .LBB1_6-.Ltmp1, $4  }
0x1d: {  	s12 =	simm.s32 @!p1 $0x2  }
0x1e: {  	s14 =	sadd.s32 $0x1, s10;
	_ =	swait.ge @!p1 [sflag:s12], $0x2000  }
0x1f: {  	s11 =	smov.u32 s9;
	p0 =	por !p0, !p0;
	[sflag:s12] =	ssyncset.done @!p1 $0x0  }
0x20: {  	s10 =	smov.u32 s14;
	s9 =	smov.u32 s13;
	[sflag:s12] =	ssyncadd.s32 @!p1 $0xFFFFE000  }
.LBB1_1:
0x21: {  	p1 =	sge.u32 s10, s6  }
0x22: {  	s12 =	sand.u32 @!p1 $0x1FFFFFF, s9  }
0x23: {  	s13 =	smulhi.u32 @!p1 $0x2762763, s12;
	_ =	sdelay $0x1  }
0x24: {  	s13 =	sshrl.u32 @!p1 s13, $0xC  }
0x25: {  	s13 =	smul.u32 @!p1 $0x68000, s13;
	_ =	sdelay $0x1  }
0x26: {  	s31 =	sadd.s32 $0xFFFFFFFF, s10;
	s14 =	sxor.u32 @!p1 $0xFFFFFFFF, s10;
	s12 =	ssub.s32 @!p1 s12, s13  }
0x27: {  	s15 =	simm.s32 @!p1 $0x80;
	s14 =	sshll.u32 @!p1 s14, $0xD;
	s12 =	sshll.u32 @!p1 s12, $0x4  }
0x28: {  	s13 =	sand.u32 @!p1 $0x2000, s14;
	s14 =	simm.s32 @!p1 $0x40;
	s12 =	sadd.s32 @!p1 s4, s12  }
0x29: {  	[tilespmem:s13], [sflag:$0x1] =	stream.strided.gather @!p1 [hbm4b:s12+s14], $0x2000, s15, s14, $0x38;
	[tilespmem:$0x8080] =	vst v63  }
0x2a: {  	p1 =	sge.u32 s31, s6  }
.Ltmp2:
0x2b: {  	_ = 	snop;
	(pc) =	sbr.rel @p1 .LBB1_5-.Ltmp2, $1  }
0x2c: {  	_ =	sdelay $0x3  }
0x2d: {  	s12 =	simm.s32 $0x1  }
0x2e: {  	_ =	swait.ge [sflag:s5], $0x2000;
	s12 =	simm.s32 @!p0 $0x0  }
0x2f: {  	[sflag:s5] =	ssyncset.done $0x0;
	s13 =	sshll.u32 s12, $0xD  }
0x30: {  	[sflag:s5] =	ssyncadd.s32 $0xFFFFE000;
	s16 =	sor.u32 $0x20, s13  }
0x31: {  	s12 =	smul.u32 $0x8100, s12;
	v3 =	vld [tilespmem:s16+$0x10]  }
0x32: {  	s30 =	sand.u32 $0x1, s10;
	v2 =	vld [tilespmem:s16+$0xFFFFFFF0]  }
0x33: {  	s13 =	smul.u32 $0x8100, s30;
	s12 =	sshrl.u32 s12, $0x2;
	v0 =	vld [tilespmem:s16+$0x0]  }
0x34: {  	v1 =	vld [tilespmem:s16+$0xFFFFFFE0];
	s14 =	sor.u32 $0x4000, s12  }
0x35: {  	s31 =	sshrl.u32 s13, $0x2;
	s13 =	sadd.s32 $0x0, s14  }
0x36: {  	s15 =	simm.s32 $0x4;
	s16 =	sadd.s32 $0x40, s16;
	s12 =	sor.u32 $0x4000, s31;
	[tilespmem:s13+$0x1830 ss:$0x81] =	vst.msk $0xffff, v3  }
.LBB1_3:
0x37: {  	v3 =	vld [tilespmem:s16+$0x10];
	p1 =	sne.s32 s15, $0x1FC;
	[tilespmem:s13+$0x810 ss:$0x81] =	vst.msk $0xffff, v2;
	s17 =	smov.u32 s15;
	s15 =	sadd.s32 $0x4, s15  }
.Ltmp3:
0x38: {  	v2 =	vld [tilespmem:s16+$0xFFFFFFF0];
	[tilespmem:s13+$0x1020 ss:$0x81] =	vst.msk $0xffff, v0;
	(pc) =	sbr.rel @p1 .LBB1_3-.Ltmp3, $4  }
0x39: {  	v0 =	vld [tilespmem:s16+$0x0];
	[tilespmem:s13+$0x0 ss:$0x81] =	vst.msk $0xffff, v1  }
0x3a: {  	s13 =	sshra.s32 s17, $0x2;
	v1 =	vld [tilespmem:s16+$0xFFFFFFE0]  }
0x3b: {  	s13 =	sadd.s32 s13, s14  }
0x3c: {  	s16 =	sadd.s32 $0x40, s16;
	[tilespmem:s13+$0x1830 ss:$0x81] =	vst.msk $0xffff, v3  }
.Ltmp4:
0x3d: {  	_ = 	snop;
	(pc) =	sbr.rel .LBB1_4-.Ltmp4, $1  }
0x3e: {  	_ =	sdelay $0x3  }
.LBB1_6:
0x3f: {  	_ =	sfence.sel $0x180000  }
0x40: {  	s2 =	simm.s32 $0x1;
	[bflag:$0x0] =	sbarrier.arrive $0xFFFF  }
0x41: {  	s31 =	simm.s32 $0x2;
	[sflag:s2] =	ssyncpa.u1 $0x1  }
0x42: {  	[sflag:s31] =	ssyncpa.u1 $0x1  }
0x43: {  	p0 =	sne.s32 s0, $0x0;
	_ =	strace $0x9000004A  }
0x44: {  	s0 =	sadd.s32 @!p0 $0x100000, s1;
	[bflag:$0x2] =	sbarrier.arrive $0xFFFF  }
0x45: {  	[sflag:s0] =	ssyncadd.tile.s32 @!p0 $0x1;
	_ =	shalt  }
.Lfunc_end1:
_tile_overlayer_lowered:
.L_overlay_start_2:
0x46: {  	(tag) =	ssettag $0x2  }
0x47: {  	s0 =	rddreg [dreg:$0x0];
	s2 =	stileid.u32  }
0x48: {  	s1 =	rddreg [dreg:$0x1];
	p0 =	sne.s32 s2, $0x0  }
0x49: {  	s3 =	rddreg [dreg:$0x2];
	[bflag:$0x3] =	sbarrier.arrive $0xFFFF;
	s2 =	simm.s32 @!p0 $0x1C01  }
0x4a: {  	[timem:s3], [sflag:s2] =	dma.local @!p0 [hbm:s0], s1  }
0x4b: {  	s0 =	simm.s32 @!p0 $0x1  }
0x4c: {  	_ =	swait.ge @!p0 [sflag:s0], s1  }
0x4d: {  	s1 =	ssub.s32 @!p0 $0x0, s1;
	[sflag:s0] =	ssyncset.done @!p0 $0x0  }
0x4e: {  	[sflag:s0] =	ssyncadd.s32 @!p0 s1  }
0x4f: {  	[bflag:$0x3] =	sbarrier.arrive $0xFFFF  }
0x50: {  	_ =	shalt  }

</sc_bundles>
